<compile_context>
chip_gen: v7x
topology: tpu7x:2x2x1
jax: 0.10.2.dev20260603
libtpu: 0.0.44.dev20260713+nightly
codegen_flags: <defaults>
</compile_context>

<pallas_src>
import functools

import jax
import jax.numpy as jnp
from jax import lax
from jax.experimental import pallas as pl
from jax.experimental.pallas import tpu as pltpu
from jax.experimental.pallas import tpu_sc as plsc

_INFO = plsc.get_sparse_core_info()
_NS = _INFO.num_subcores
_NL = _INFO.num_lanes
_IDX_PER_DMA = 128


@functools.lru_cache(maxsize=None)
def _make_gather(bsz: int, seq: int, vocab: int):
    n = bsz * seq
    nw = _NS
    assert n % (nw * _IDX_PER_DMA) == 0 and seq % 8 == 0 and vocab % 128 == 0
    chunk = n // nw
    ndma = chunk // _IDX_PER_DMA
    nvec = chunk // _NL
    epb = seq // chunk
    assert seq % chunk == 0 and epb & (epb - 1) == 0
    eshift = epb.bit_length() - 1

    mesh = plsc.VectorSubcoreMesh(core_axis_name="c", subcore_axis_name="s",
                                  num_cores=1)

    @functools.partial(
        pl.kernel,
        mesh=mesh,
        out_type=jax.ShapeDtypeStruct((bsz, seq), jnp.float32),
        scratch_types=[
            pltpu.VMEM((chunk,), jnp.int32),
            pltpu.VMEM((ndma, _IDX_PER_DMA), jnp.int32),
            pltpu.VMEM((chunk,), jnp.float32),
            pltpu.SemaphoreType.DMA,
            pltpu.SemaphoreType.DMA,
        ],
    )
    def gather(pred_hbm, tgt_hbm, out_hbm, tgt_v, idx_v, val_v, gsem, ssem):
        wid = lax.axis_index("s")
        bid = wid >> eshift
        t0 = (wid & (epb - 1)) * chunk
        base = wid * chunk
        vpd = _IDX_PER_DMA // _NL
        stages = [
            pltpu.async_copy(
                tgt_hbm.at[bid, pl.ds(t0 + k * _IDX_PER_DMA, _IDX_PER_DMA)],
                tgt_v.at[pl.ds(k * _IDX_PER_DMA, _IDX_PER_DMA)], ssem)
            for k in range(ndma)
        ]
        gathers = []
        for k in range(ndma):
            stages[k].wait()
            for jj in range(vpd):
                j = k * vpd + jj
                pos = (base + j * _NL
                       + lax.broadcasted_iota(jnp.int32, (_NL,), 0))
                v = tgt_v[pl.ds(j * _NL, _NL)]
                idx_v[k, pl.ds(jj * _NL, _NL)] = (
                    ((pos >> 3) * (vocab // 128) + (v >> 7)) * 1024
                    + (pos & 7) * 128 + (v & 127))
            gathers.append(pltpu.async_copy(
                pred_hbm.at[idx_v.at[k]],
                val_v.at[pl.ds(k * _IDX_PER_DMA, _IDX_PER_DMA)], gsem))
        writes = []
        for k in range(ndma):
            gathers[k].wait()
            writes.append(pltpu.async_copy(
                val_v.at[pl.ds(k * _IDX_PER_DMA, _IDX_PER_DMA)],
                out_hbm.at[bid, pl.ds(t0 + k * _IDX_PER_DMA, _IDX_PER_DMA)],
                ssem))
        for cp in writes:
            cp.wait()

    return gather


def kernel(prediction, tgt):
    b, t, vocab = prediction.shape
    if t < tgt.shape[1]:
        zeros = jnp.zeros((b, tgt.shape[1] - t, vocab), dtype=prediction.dtype)
        prediction = jnp.concatenate((prediction, zeros), axis=1)
        t = tgt.shape[1]
    pred_lin = (prediction
                .reshape(b, t // 8, 8, vocab // 128, 128)
                .transpose(0, 1, 3, 2, 4)
                .reshape(-1))
    return _make_gather(b, t, vocab)(pred_lin, tgt.astype(jnp.int32))

# --- scband reference (transcript-rebuilt; emitter-appended) ---
"""Pipeline reference for scband-loglikelihood-20495583936828 (READ-ONLY COPY).

The authoritative reference and input builder live on the scoring server;
editing this copy changes nothing except your own understanding.
"""

import jax, jax.numpy as jnp
import numpy as np


def setup_inputs(seed: int = 0) -> dict:
    key = jax.random.key(seed)
    k1, k2 = jax.random.split(key)
    prediction = jax.random.normal(k1, (4, 2048, 4096), dtype=jnp.float32)
    tgt = jax.random.randint(k2, (4, 2048), 0, 4096, dtype=jnp.int64)
    return {"prediction": prediction, "tgt": tgt}


def reference(prediction, tgt):
    # Faithful translation of the torch module's forward.
    # If prediction has fewer timesteps than tgt, pad with zeros along seq dim.
    if prediction.shape[1] < tgt.shape[1]:
        zeros = jnp.zeros(
            (prediction.shape[0], tgt.shape[1] - prediction.shape[1], prediction.shape[2]),
            dtype=prediction.dtype,
        )
        prediction = jnp.concatenate((prediction, zeros), axis=1)
    # torch.gather(prediction, index=tgt.unsqueeze(-1), dim=-1).squeeze(-1)
    loglikelihood = jnp.take_along_axis(prediction, tgt[..., None], axis=-1).squeeze(-1)
    return loglikelihood

if __name__ == "__main__":
    import jax
    _d = setup_inputs()
    print(jax.jit(kernel)(*tuple(_d.values())))

</pallas_src>

<mosaic_0001>
#map = affine_map<(d0, d1) -> (0)>
#map1 = affine_map<(d0, d1) -> (0, 0)>
module attributes {stable_mosaic.version = 14 : i64} {
  func.func @gather(%arg0: i32, %arg1: i32, %arg2: memref<33554432xf32, #tpu.memory_space<hbm>>, %arg3: memref<4x2048xi32, #tpu.memory_space<hbm>>, %arg4: memref<4x2048xf32, #tpu.memory_space<hbm>>, %arg5: memref<512xi32, #tpu.memory_space<vmem>>, %arg6: memref<4x128xi32, #tpu.memory_space<vmem>>, %arg7: memref<512xf32, #tpu.memory_space<vmem>>, %arg8: memref<!tpu.dma_semaphore, #tpu.memory_space<semaphore_mem>>, %arg9: memref<!tpu.dma_semaphore, #tpu.memory_space<semaphore_mem>>) attributes {dimension_semantics = [#tpu.dimension_semantics<core_parallel>, #tpu.dimension_semantics<subcore_parallel>], iteration_bounds = array<i64: 1, 16>, scalar_prefetch = 0 : i64, scratch_operands = 5 : i64, tpu.core_type = #tpu.core_type<sc_vector_subcore>, window_params = [{transform_indices = #map}, {transform_indices = #map1}, {transform_indices = #map1}]} {
    %shift_right_arithmetic3A = arith.constant 2 : i32
    %shift_right_arithmetic3A_0 = arith.shrsi %arg1, %shift_right_arithmetic3A : i32
    %and3A = arith.constant 3 : i32
    %and3A_1 = arith.andi %arg1, %and3A : i32
    %mul3A = arith.constant 512 : i32
    %mul3A_2 = arith.muli %and3A_1, %mul3A : i32
    %mul3A_3 = arith.constant 512 : i32
    %mul3A_4 = arith.muli %arg1, %mul3A_3 : i32
    %add3A = arith.constant 0 : i32
    %add3A_5 = arith.addi %mul3A_2, %add3A : i32
    %dma_start3A = arith.constant 0 : i32
    %dma_start3A_6 = tpu.memref_slice %arg5[%dma_start3A] : memref<512xi32, #tpu.memory_space<vmem>> -> memref<128xi32, #tpu.memory_space<vmem>>
    %dma_start3A_7 = tpu.memref_slice %arg3[%shift_right_arithmetic3A_0, %add3A_5] : memref<4x2048xi32, #tpu.memory_space<hbm>> -> memref<1x128xi32, #tpu.memory_space<hbm>>
    %dma_start3A_8 = tpu.memref_squeeze %dma_start3A_7 : memref<1x128xi32, #tpu.memory_space<hbm>> -> memref<128xi32, #tpu.memory_space<hbm>>
    %dma_start3A_9 = arith.constant 0 : i32
    %dma_start3A_10 = tpu.memref_slice %arg5[%dma_start3A_9] : memref<512xi32, #tpu.memory_space<vmem>> -> memref<128xi32, #tpu.memory_space<vmem>>
    %dma_start3A_11 = tpu.memref_slice %arg3[%shift_right_arithmetic3A_0, %add3A_5] : memref<4x2048xi32, #tpu.memory_space<hbm>> -> memref<1x128xi32, #tpu.memory_space<hbm>>
    %dma_start3A_12 = tpu.memref_squeeze %dma_start3A_11 : memref<1x128xi32, #tpu.memory_space<hbm>> -> memref<128xi32, #tpu.memory_space<hbm>>
    tpu.enqueue_dma source(%dma_start3A_12 : memref<128xi32, #tpu.memory_space<hbm>>) target(%dma_start3A_10 : memref<128xi32, #tpu.memory_space<vmem>>) target_semaphore(%arg9 : memref<!tpu.dma_semaphore, #tpu.memory_space<semaphore_mem>>)
    %add3A_13 = arith.constant 128 : i32
    %add3A_14 = arith.addi %mul3A_2, %add3A_13 : i32
    %dma_start3A_15 = arith.constant 128 : i32
    %dma_start3A_16 = tpu.memref_slice %arg5[%dma_start3A_15] : memref<512xi32, #tpu.memory_space<vmem>> -> memref<128xi32, #tpu.memory_space<vmem>>
    %dma_start3A_17 = tpu.memref_slice %arg3[%shift_right_arithmetic3A_0, %add3A_14] : memref<4x2048xi32, #tpu.memory_space<hbm>> -> memref<1x128xi32, #tpu.memory_space<hbm>>
    %dma_start3A_18 = tpu.memref_squeeze %dma_start3A_17 : memref<1x128xi32, #tpu.memory_space<hbm>> -> memref<128xi32, #tpu.memory_space<hbm>>
    %dma_start3A_19 = arith.constant 128 : i32
    %dma_start3A_20 = tpu.memref_slice %arg5[%dma_start3A_19] : memref<512xi32, #tpu.memory_space<vmem>> -> memref<128xi32, #tpu.memory_space<vmem>>
    %dma_start3A_21 = tpu.memref_slice %arg3[%shift_right_arithmetic3A_0, %add3A_14] : memref<4x2048xi32, #tpu.memory_space<hbm>> -> memref<1x128xi32, #tpu.memory_space<hbm>>
    %dma_start3A_22 = tpu.memref_squeeze %dma_start3A_21 : memref<1x128xi32, #tpu.memory_space<hbm>> -> memref<128xi32, #tpu.memory_space<hbm>>
    tpu.enqueue_dma source(%dma_start3A_22 : memref<128xi32, #tpu.memory_space<hbm>>) target(%dma_start3A_20 : memref<128xi32, #tpu.memory_space<vmem>>) target_semaphore(%arg9 : memref<!tpu.dma_semaphore, #tpu.memory_space<semaphore_mem>>)
    %add3A_23 = arith.constant 256 : i32
    %add3A_24 = arith.addi %mul3A_2, %add3A_23 : i32
    %dma_start3A_25 = arith.constant 256 : i32
    %dma_start3A_26 = tpu.memref_slice %arg5[%dma_start3A_25] : memref<512xi32, #tpu.memory_space<vmem>> -> memref<128xi32, #tpu.memory_space<vmem>>
    %dma_start3A_27 = tpu.memref_slice %arg3[%shift_right_arithmetic3A_0, %add3A_24] : memref<4x2048xi32, #tpu.memory_space<hbm>> -> memref<1x128xi32, #tpu.memory_space<hbm>>
    %dma_start3A_28 = tpu.memref_squeeze %dma_start3A_27 : memref<1x128xi32, #tpu.memory_space<hbm>> -> memref<128xi32, #tpu.memory_space<hbm>>
    %dma_start3A_29 = arith.constant 256 : i32
    %dma_start3A_30 = tpu.memref_slice %arg5[%dma_start3A_29] : memref<512xi32, #tpu.memory_space<vmem>> -> memref<128xi32, #tpu.memory_space<vmem>>
    %dma_start3A_31 = tpu.memref_slice %arg3[%shift_right_arithmetic3A_0, %add3A_24] : memref<4x2048xi32, #tpu.memory_space<hbm>> -> memref<1x128xi32, #tpu.memory_space<hbm>>
    %dma_start3A_32 = tpu.memref_squeeze %dma_start3A_31 : memref<1x128xi32, #tpu.memory_space<hbm>> -> memref<128xi32, #tpu.memory_space<hbm>>
    tpu.enqueue_dma source(%dma_start3A_32 : memref<128xi32, #tpu.memory_space<hbm>>) target(%dma_start3A_30 : memref<128xi32, #tpu.memory_space<vmem>>) target_semaphore(%arg9 : memref<!tpu.dma_semaphore, #tpu.memory_space<semaphore_mem>>)
    %add3A_33 = arith.constant 384 : i32
    %add3A_34 = arith.addi %mul3A_2, %add3A_33 : i32
    %dma_start3A_35 = arith.constant 384 : i32
    %dma_start3A_36 = tpu.memref_slice %arg5[%dma_start3A_35] : memref<512xi32, #tpu.memory_space<vmem>> -> memref<128xi32, #tpu.memory_space<vmem>>
    %dma_start3A_37 = tpu.memref_slice %arg3[%shift_right_arithmetic3A_0, %add3A_34] : memref<4x2048xi32, #tpu.memory_space<hbm>> -> memref<1x128xi32, #tpu.memory_space<hbm>>
    %dma_start3A_38 = tpu.memref_squeeze %dma_start3A_37 : memref<1x128xi32, #tpu.memory_space<hbm>> -> memref<128xi32, #tpu.memory_space<hbm>>
    %dma_start3A_39 = arith.constant 384 : i32
    %dma_start3A_40 = tpu.memref_slice %arg5[%dma_start3A_39] : memref<512xi32, #tpu.memory_space<vmem>> -> memref<128xi32, #tpu.memory_space<vmem>>
    %dma_start3A_41 = tpu.memref_slice %arg3[%shift_right_arithmetic3A_0, %add3A_34] : memref<4x2048xi32, #tpu.memory_space<hbm>> -> memref<1x128xi32, #tpu.memory_space<hbm>>
    %dma_start3A_42 = tpu.memref_squeeze %dma_start3A_41 : memref<1x128xi32, #tpu.memory_space<hbm>> -> memref<128xi32, #tpu.memory_space<hbm>>
    tpu.enqueue_dma source(%dma_start3A_42 : memref<128xi32, #tpu.memory_space<hbm>>) target(%dma_start3A_40 : memref<128xi32, #tpu.memory_space<vmem>>) target_semaphore(%arg9 : memref<!tpu.dma_semaphore, #tpu.memory_space<semaphore_mem>>)
    %dma_wait3A = arith.constant 0 : i32
    %dma_wait3A_43 = tpu.memref_slice %arg5[%dma_wait3A] : memref<512xi32, #tpu.memory_space<vmem>> -> memref<128xi32, #tpu.memory_space<vmem>>
    %dma_wait3A_44 = tpu.memref_slice %arg3[%shift_right_arithmetic3A_0, %add3A_5] : memref<4x2048xi32, #tpu.memory_space<hbm>> -> memref<1x128xi32, #tpu.memory_space<hbm>>
    %dma_wait3A_45 = tpu.memref_squeeze %dma_wait3A_44 : memref<1x128xi32, #tpu.memory_space<hbm>> -> memref<128xi32, #tpu.memory_space<hbm>>
    %dma_wait3A_46 = arith.constant 0 : i32
    %dma_wait3A_47 = tpu.memref_slice %arg5[%dma_wait3A_46] : memref<512xi32, #tpu.memory_space<vmem>> -> memref<128xi32, #tpu.memory_space<vmem>>
    %dma_wait3A_48 = tpu.memref_slice %arg3[%shift_right_arithmetic3A_0, %add3A_5] : memref<4x2048xi32, #tpu.memory_space<hbm>> -> memref<1x128xi32, #tpu.memory_space<hbm>>
    %dma_wait3A_49 = tpu.memref_squeeze %dma_wait3A_48 : memref<1x128xi32, #tpu.memory_space<hbm>> -> memref<128xi32, #tpu.memory_space<hbm>>
    tpu.wait_dma2 semaphore(%arg9 : memref<!tpu.dma_semaphore, #tpu.memory_space<semaphore_mem>>) src(%dma_wait3A_49 : memref<128xi32, #tpu.memory_space<hbm>>) dst(%dma_wait3A_47 : memref<128xi32, #tpu.memory_space<vmem>>)
    %add3A_50 = arith.constant 0 : i32
    %add3A_51 = arith.addi %mul3A_4, %add3A_50 : i32
    %iota3A = tpu.iota {dimensions = array<i32: 0>} : vector<16xi32>
    %add3A_52 = vector.broadcast %add3A_51 : i32 to vector<16xi32>
    %add3A_53 = arith.addi %add3A_52, %iota3A : vector<16xi32>
    %get3A = arith.constant 0 : index
    %get3A_54 = tpu.vector_load %arg5[%get3A] {strides = array<i32>} : memref<512xi32, #tpu.memory_space<vmem>>, vector<16xi32>,
    %get3A_55 = vector.shape_cast %get3A_54 : vector<16xi32> to vector<16xi32>
    %shift_right_arithmetic3A_56 = arith.constant 3 : i32
    %shift_right_arithmetic3A_57 = vector.broadcast %shift_right_arithmetic3A_56 : i32 to vector<16xi32>
    %shift_right_arithmetic3A_58 = arith.shrsi %add3A_53, %shift_right_arithmetic3A_57 : vector<16xi32>
    %mul3A_59 = arith.constant 32 : i32
    %mul3A_60 = vector.broadcast %mul3A_59 : i32 to vector<16xi32>
    %mul3A_61 = arith.muli %shift_right_arithmetic3A_58, %mul3A_60 : vector<16xi32>
    %shift_right_arithmetic3A_62 = arith.constant 7 : i32
    %shift_right_arithmetic3A_63 = vector.broadcast %shift_right_arithmetic3A_62 : i32 to vector<16xi32>
    %shift_right_arithmetic3A_64 = arith.shrsi %get3A_55, %shift_right_arithmetic3A_63 : vector<16xi32>
    %add3A_65 = arith.addi %mul3A_61, %shift_right_arithmetic3A_64 : vector<16xi32>
    %mul3A_66 = arith.constant 1024 : i32
    %mul3A_67 = vector.broadcast %mul3A_66 : i32 to vector<16xi32>
    %mul3A_68 = arith.muli %add3A_65, %mul3A_67 : vector<16xi32>
    %and3A_69 = arith.constant 7 : i32
    %and3A_70 = vector.broadcast %and3A_69 : i32 to vector<16xi32>
    %and3A_71 = arith.andi %add3A_53, %and3A_70 : vector<16xi32>
    %mul3A_72 = arith.constant 128 : i32
    %mul3A_73 = vector.broadcast %mul3A_72 : i32 to vector<16xi32>
    %mul3A_74 = arith.muli %and3A_71, %mul3A_73 : vector<16xi32>
    %add3A_75 = arith.addi %mul3A_68, %mul3A_74 : vector<16xi32>
    %and3A_76 = arith.constant 127 : i32
    %and3A_77 = vector.broadcast %and3A_76 : i32 to vector<16xi32>
    %and3A_78 = arith.andi %get3A_55, %and3A_77 : vector<16xi32>
    %add3A_79 = arith.addi %add3A_75, %and3A_78 : vector<16xi32>
    %swap3A = arith.constant 0 : i32
    %swap3A_80 = arith.index_cast %swap3A : i32 to index
    %swap3A_81 = arith.constant 0 : index
    %swap3A_82 = tpu.vector_load %arg6[%swap3A_80, %swap3A_81] {strides = array<i32>} : memref<4x128xi32, #tpu.memory_space<vmem>>, vector<1x16xi32>,
    %swap3A_83 = vector.shape_cast %swap3A_82 : vector<1x16xi32> to vector<16xi32>
    %swap3A_84 = vector.shape_cast %add3A_79 : vector<16xi32> to vector<1x16xi32>
    tpu.vector_store %arg6[%swap3A_80, %swap3A_81], %swap3A_84 {strides = array<i32>} : memref<4x128xi32, #tpu.memory_space<vmem>>, vector<1x16xi32>,
    %add3A_85 = arith.constant 16 : i32
    %add3A_86 = arith.addi %mul3A_4, %add3A_85 : i32
    %iota3A_87 = tpu.iota {dimensions = array<i32: 0>} : vector<16xi32>
    %add3A_88 = vector.broadcast %add3A_86 : i32 to vector<16xi32>
    %add3A_89 = arith.addi %add3A_88, %iota3A_87 : vector<16xi32>
    %get3A_90 = arith.constant 16 : index
    %get3A_91 = tpu.vector_load %arg5[%get3A_90] {strides = array<i32>} : memref<512xi32, #tpu.memory_space<vmem>>, vector<16xi32>,
    %get3A_92 = vector.shape_cast %get3A_91 : vector<16xi32> to vector<16xi32>
    %shift_right_arithmetic3A_93 = arith.constant 3 : i32
    %shift_right_arithmetic3A_94 = vector.broadcast %shift_right_arithmetic3A_93 : i32 to vector<16xi32>
    %shift_right_arithmetic3A_95 = arith.shrsi %add3A_89, %shift_right_arithmetic3A_94 : vector<16xi32>
    %mul3A_96 = arith.constant 32 : i32
    %mul3A_97 = vector.broadcast %mul3A_96 : i32 to vector<16xi32>
    %mul3A_98 = arith.muli %shift_right_arithmetic3A_95, %mul3A_97 : vector<16xi32>
    %shift_right_arithmetic3A_99 = arith.constant 7 : i32
    %shift_right_arithmetic3A_100 = vector.broadcast %shift_right_arithmetic3A_99 : i32 to vector<16xi32>
    %shift_right_arithmetic3A_101 = arith.shrsi %get3A_92, %shift_right_arithmetic3A_100 : vector<16xi32>
    %add3A_102 = arith.addi %mul3A_98, %shift_right_arithmetic3A_101 : vector<16xi32>
    %mul3A_103 = arith.constant 1024 : i32
    %mul3A_104 = vector.broadcast %mul3A_103 : i32 to vector<16xi32>
    %mul3A_105 = arith.muli %add3A_102, %mul3A_104 : vector<16xi32>
    %and3A_106 = arith.constant 7 : i32
    %and3A_107 = vector.broadcast %and3A_106 : i32 to vector<16xi32>
    %and3A_108 = arith.andi %add3A_89, %and3A_107 : vector<16xi32>
    %mul3A_109 = arith.constant 128 : i32
    %mul3A_110 = vector.broadcast %mul3A_109 : i32 to vector<16xi32>
    %mul3A_111 = arith.muli %and3A_108, %mul3A_110 : vector<16xi32>
    %add3A_112 = arith.addi %mul3A_105, %mul3A_111 : vector<16xi32>
    %and3A_113 = arith.constant 127 : i32
    %and3A_114 = vector.broadcast %and3A_113 : i32 to vector<16xi32>
    %and3A_115 = arith.andi %get3A_92, %and3A_114 : vector<16xi32>
    %add3A_116 = arith.addi %add3A_112, %and3A_115 : vector<16xi32>
    %swap3A_117 = arith.constant 0 : i32
    %swap3A_118 = arith.index_cast %swap3A_117 : i32 to index
    %swap3A_119 = arith.constant 16 : index
    %swap3A_120 = tpu.vector_load %arg6[%swap3A_118, %swap3A_119] {strides = array<i32>} : memref<4x128xi32, #tpu.memory_space<vmem>>, vector<1x16xi32>,
    %swap3A_121 = vector.shape_cast %swap3A_120 : vector<1x16xi32> to vector<16xi32>
    %swap3A_122 = vector.shape_cast %add3A_116 : vector<16xi32> to vector<1x16xi32>
    tpu.vector_store %arg6[%swap3A_118, %swap3A_119], %swap3A_122 {strides = array<i32>} : memref<4x128xi32, #tpu.memory_space<vmem>>, vector<1x16xi32>,
    %add3A_123 = arith.constant 32 : i32
    %add3A_124 = arith.addi %mul3A_4, %add3A_123 : i32
    %iota3A_125 = tpu.iota {dimensions = array<i32: 0>} : vector<16xi32>
    %add3A_126 = vector.broadcast %add3A_124 : i32 to vector<16xi32>
    %add3A_127 = arith.addi %add3A_126, %iota3A_125 : vector<16xi32>
    %get3A_128 = arith.constant 32 : index
    %get3A_129 = tpu.vector_load %arg5[%get3A_128] {strides = array<i32>} : memref<512xi32, #tpu.memory_space<vmem>>, vector<16xi32>,
    %get3A_130 = vector.shape_cast %get3A_129 : vector<16xi32> to vector<16xi32>
    %shift_right_arithmetic3A_131 = arith.constant 3 : i32
    %shift_right_arithmetic3A_132 = vector.broadcast %shift_right_arithmetic3A_131 : i32 to vector<16xi32>
    %shift_right_arithmetic3A_133 = arith.shrsi %add3A_127, %shift_right_arithmetic3A_132 : vector<16xi32>
    %mul3A_134 = arith.constant 32 : i32
    %mul3A_135 = vector.broadcast %mul3A_134 : i32 to vector<16xi32>
    %mul3A_136 = arith.muli %shift_right_arithmetic3A_133, %mul3A_135 : vector<16xi32>
    %shift_right_arithmetic3A_137 = arith.constant 7 : i32
    %shift_right_arithmetic3A_138 = vector.broadcast %shift_right_arithmetic3A_137 : i32 to vector<16xi32>
    %shift_right_arithmetic3A_139 = arith.shrsi %get3A_130, %shift_right_arithmetic3A_138 : vector<16xi32>
    %add3A_140 = arith.addi %mul3A_136, %shift_right_arithmetic3A_139 : vector<16xi32>
    %mul3A_141 = arith.constant 1024 : i32
    %mul3A_142 = vector.broadcast %mul3A_141 : i32 to vector<16xi32>
    %mul3A_143 = arith.muli %add3A_140, %mul3A_142 : vector<16xi32>
    %and3A_144 = arith.constant 7 : i32
    %and3A_145 = vector.broadcast %and3A_144 : i32 to vector<16xi32>
    %and3A_146 = arith.andi %add3A_127, %and3A_145 : vector<16xi32>
    %mul3A_147 = arith.constant 128 : i32
    %mul3A_148 = vector.broadcast %mul3A_147 : i32 to vector<16xi32>
    %mul3A_149 = arith.muli %and3A_146, %mul3A_148 : vector<16xi32>
    %add3A_150 = arith.addi %mul3A_143, %mul3A_149 : vector<16xi32>
    %and3A_151 = arith.constant 127 : i32
    %and3A_152 = vector.broadcast %and3A_151 : i32 to vector<16xi32>
    %and3A_153 = arith.andi %get3A_130, %and3A_152 : vector<16xi32>
    %add3A_154 = arith.addi %add3A_150, %and3A_153 : vector<16xi32>
    %swap3A_155 = arith.constant 0 : i32
    %swap3A_156 = arith.index_cast %swap3A_155 : i32 to index
    %swap3A_157 = arith.constant 32 : index
    %swap3A_158 = tpu.vector_load %arg6[%swap3A_156, %swap3A_157] {strides = array<i32>} : memref<4x128xi32, #tpu.memory_space<vmem>>, vector<1x16xi32>,
    %swap3A_159 = vector.shape_cast %swap3A_158 : vector<1x16xi32> to vector<16xi32>
    %swap3A_160 = vector.shape_cast %add3A_154 : vector<16xi32> to vector<1x16xi32>
    tpu.vector_store %arg6[%swap3A_156, %swap3A_157], %swap3A_160 {strides = array<i32>} : memref<4x128xi32, #tpu.memory_space<vmem>>, vector<1x16xi32>,
    %add3A_161 = arith.constant 48 : i32
    %add3A_162 = arith.addi %mul3A_4, %add3A_161 : i32
    %iota3A_163 = tpu.iota {dimensions = array<i32: 0>} : vector<16xi32>
    %add3A_164 = vector.broadcast %add3A_162 : i32 to vector<16xi32>
    %add3A_165 = arith.addi %add3A_164, %iota3A_163 : vector<16xi32>
    %get3A_166 = arith.constant 48 : index
    %get3A_167 = tpu.vector_load %arg5[%get3A_166] {strides = array<i32>} : memref<512xi32, #tpu.memory_space<vmem>>, vector<16xi32>,
    %get3A_168 = vector.shape_cast %get3A_167 : vector<16xi32> to vector<16xi32>
    %shift_right_arithmetic3A_169 = arith.constant 3 : i32
    %shift_right_arithmetic3A_170 = vector.broadcast %shift_right_arithmetic3A_169 : i32 to vector<16xi32>
    %shift_right_arithmetic3A_171 = arith.shrsi %add3A_165, %shift_right_arithmetic3A_170 : vector<16xi32>
    %mul3A_172 = arith.constant 32 : i32
    %mul3A_173 = vector.broadcast %mul3A_172 : i32 to vector<16xi32>
    %mul3A_174 = arith.muli %shift_right_arithmetic3A_171, %mul3A_173 : vector<16xi32>
    %shift_right_arithmetic3A_175 = arith.constant 7 : i32
    %shift_right_arithmetic3A_176 = vector.broadcast %shift_right_arithmetic3A_175 : i32 to vector<16xi32>
    %shift_right_arithmetic3A_177 = arith.shrsi %get3A_168, %shift_right_arithmetic3A_176 : vector<16xi32>
    %add3A_178 = arith.addi %mul3A_174, %shift_right_arithmetic3A_177 : vector<16xi32>
    %mul3A_179 = arith.constant 1024 : i32
    %mul3A_180 = vector.broadcast %mul3A_179 : i32 to vector<16xi32>
    %mul3A_181 = arith.muli %add3A_178, %mul3A_180 : vector<16xi32>
    %and3A_182 = arith.constant 7 : i32
    %and3A_183 = vector.broadcast %and3A_182 : i32 to vector<16xi32>
    %and3A_184 = arith.andi %add3A_165, %and3A_183 : vector<16xi32>
    %mul3A_185 = arith.constant 128 : i32
    %mul3A_186 = vector.broadcast %mul3A_185 : i32 to vector<16xi32>
    %mul3A_187 = arith.muli %and3A_184, %mul3A_186 : vector<16xi32>
    %add3A_188 = arith.addi %mul3A_181, %mul3A_187 : vector<16xi32>
    %and3A_189 = arith.constant 127 : i32
    %and3A_190 = vector.broadcast %and3A_189 : i32 to vector<16xi32>
    %and3A_191 = arith.andi %get3A_168, %and3A_190 : vector<16xi32>
    %add3A_192 = arith.addi %add3A_188, %and3A_191 : vector<16xi32>
    %swap3A_193 = arith.constant 0 : i32
    %swap3A_194 = arith.index_cast %swap3A_193 : i32 to index
    %swap3A_195 = arith.constant 48 : index
    %swap3A_196 = tpu.vector_load %arg6[%swap3A_194, %swap3A_195] {strides = array<i32>} : memref<4x128xi32, #tpu.memory_space<vmem>>, vector<1x16xi32>,
    %swap3A_197 = vector.shape_cast %swap3A_196 : vector<1x16xi32> to vector<16xi32>
    %swap3A_198 = vector.shape_cast %add3A_192 : vector<16xi32> to vector<1x16xi32>
    tpu.vector_store %arg6[%swap3A_194, %swap3A_195], %swap3A_198 {strides = array<i32>} : memref<4x128xi32, #tpu.memory_space<vmem>>, vector<1x16xi32>,
    %add3A_199 = arith.constant 64 : i32
    %add3A_200 = arith.addi %mul3A_4, %add3A_199 : i32
    %iota3A_201 = tpu.iota {dimensions = array<i32: 0>} : vector<16xi32>
    %add3A_202 = vector.broadcast %add3A_200 : i32 to vector<16xi32>
    %add3A_203 = arith.addi %add3A_202, %iota3A_201 : vector<16xi32>
    %get3A_204 = arith.constant 64 : index
    %get3A_205 = tpu.vector_load %arg5[%get3A_204] {strides = array<i32>} : memref<512xi32, #tpu.memory_space<vmem>>, vector<16xi32>,
    %get3A_206 = vector.shape_cast %get3A_205 : vector<16xi32> to vector<16xi32>
    %shift_right_arithmetic3A_207 = arith.constant 3 : i32
    %shift_right_arithmetic3A_208 = vector.broadcast %shift_right_arithmetic3A_207 : i32 to vector<16xi32>
    %shift_right_arithmetic3A_209 = arith.shrsi %add3A_203, %shift_right_arithmetic3A_208 : vector<16xi32>
    %mul3A_210 = arith.constant 32 : i32
    %mul3A_211 = vector.broadcast %mul3A_210 : i32 to vector<16xi32>
    %mul3A_212 = arith.muli %shift_right_arithmetic3A_209, %mul3A_211 : vector<16xi32>
    %shift_right_arithmetic3A_213 = arith.constant 7 : i32
    %shift_right_arithmetic3A_214 = vector.broadcast %shift_right_arithmetic3A_213 : i32 to vector<16xi32>
    %shift_right_arithmetic3A_215 = arith.shrsi %get3A_206, %shift_right_arithmetic3A_214 : vector<16xi32>
    %add3A_216 = arith.addi %mul3A_212, %shift_right_arithmetic3A_215 : vector<16xi32>
    %mul3A_217 = arith.constant 1024 : i32
    %mul3A_218 = vector.broadcast %mul3A_217 : i32 to vector<16xi32>
    %mul3A_219 = arith.muli %add3A_216, %mul3A_218 : vector<16xi32>
    %and3A_220 = arith.constant 7 : i32
    %and3A_221 = vector.broadcast %and3A_220 : i32 to vector<16xi32>
    %and3A_222 = arith.andi %add3A_203, %and3A_221 : vector<16xi32>
    %mul3A_223 = arith.constant 128 : i32
    %mul3A_224 = vector.broadcast %mul3A_223 : i32 to vector<16xi32>
    %mul3A_225 = arith.muli %and3A_222, %mul3A_224 : vector<16xi32>
    %add3A_226 = arith.addi %mul3A_219, %mul3A_225 : vector<16xi32>
    %and3A_227 = arith.constant 127 : i32
    %and3A_228 = vector.broadcast %and3A_227 : i32 to vector<16xi32>
    %and3A_229 = arith.andi %get3A_206, %and3A_228 : vector<16xi32>
    %add3A_230 = arith.addi %add3A_226, %and3A_229 : vector<16xi32>
    %swap3A_231 = arith.constant 0 : i32
    %swap3A_232 = arith.index_cast %swap3A_231 : i32 to index
    %swap3A_233 = arith.constant 64 : index
    %swap3A_234 = tpu.vector_load %arg6[%swap3A_232, %swap3A_233] {strides = array<i32>} : memref<4x128xi32, #tpu.memory_space<vmem>>, vector<1x16xi32>,
    %swap3A_235 = vector.shape_cast %swap3A_234 : vector<1x16xi32> to vector<16xi32>
    %swap3A_236 = vector.shape_cast %add3A_230 : vector<16xi32> to vector<1x16xi32>
    tpu.vector_store %arg6[%swap3A_232, %swap3A_233], %swap3A_236 {strides = array<i32>} : memref<4x128xi32, #tpu.memory_space<vmem>>, vector<1x16xi32>,
    %add3A_237 = arith.constant 80 : i32
    %add3A_238 = arith.addi %mul3A_4, %add3A_237 : i32
    %iota3A_239 = tpu.iota {dimensions = array<i32: 0>} : vector<16xi32>
    %add3A_240 = vector.broadcast %add3A_238 : i32 to vector<16xi32>
    %add3A_241 = arith.addi %add3A_240, %iota3A_239 : vector<16xi32>
    %get3A_242 = arith.constant 80 : index
    %get3A_243 = tpu.vector_load %arg5[%get3A_242] {strides = array<i32>} : memref<512xi32, #tpu.memory_space<vmem>>, vector<16xi32>,
    %get3A_244 = vector.shape_cast %get3A_243 : vector<16xi32> to vector<16xi32>
    %shift_right_arithmetic3A_245 = arith.constant 3 : i32
    %shift_right_arithmetic3A_246 = vector.broadcast %shift_right_arithmetic3A_245 : i32 to vector<16xi32>
    %shift_right_arithmetic3A_247 = arith.shrsi %add3A_241, %shift_right_arithmetic3A_246 : vector<16xi32>
    %mul3A_248 = arith.constant 32 : i32
    %mul3A_249 = vector.broadcast %mul3A_248 : i32 to vector<16xi32>
    %mul3A_250 = arith.muli %shift_right_arithmetic3A_247, %mul3A_249 : vector<16xi32>
    %shift_right_arithmetic3A_251 = arith.constant 7 : i32
    %shift_right_arithmetic3A_252 = vector.broadcast %shift_right_arithmetic3A_251 : i32 to vector<16xi32>
    %shift_right_arithmetic3A_253 = arith.shrsi %get3A_244, %shift_right_arithmetic3A_252 : vector<16xi32>
    %add3A_254 = arith.addi %mul3A_250, %shift_right_arithmetic3A_253 : vector<16xi32>
    %mul3A_255 = arith.constant 1024 : i32
    %mul3A_256 = vector.broadcast %mul3A_255 : i32 to vector<16xi32>
    %mul3A_257 = arith.muli %add3A_254, %mul3A_256 : vector<16xi32>
    %and3A_258 = arith.constant 7 : i32
    %and3A_259 = vector.broadcast %and3A_258 : i32 to vector<16xi32>
    %and3A_260 = arith.andi %add3A_241, %and3A_259 : vector<16xi32>
    %mul3A_261 = arith.constant 128 : i32
    %mul3A_262 = vector.broadcast %mul3A_261 : i32 to vector<16xi32>
    %mul3A_263 = arith.muli %and3A_260, %mul3A_262 : vector<16xi32>
    %add3A_264 = arith.addi %mul3A_257, %mul3A_263 : vector<16xi32>
    %and3A_265 = arith.constant 127 : i32
    %and3A_266 = vector.broadcast %and3A_265 : i32 to vector<16xi32>
    %and3A_267 = arith.andi %get3A_244, %and3A_266 : vector<16xi32>
    %add3A_268 = arith.addi %add3A_264, %and3A_267 : vector<16xi32>
    %swap3A_269 = arith.constant 0 : i32
    %swap3A_270 = arith.index_cast %swap3A_269 : i32 to index
    %swap3A_271 = arith.constant 80 : index
    %swap3A_272 = tpu.vector_load %arg6[%swap3A_270, %swap3A_271] {strides = array<i32>} : memref<4x128xi32, #tpu.memory_space<vmem>>, vector<1x16xi32>,
    %swap3A_273 = vector.shape_cast %swap3A_272 : vector<1x16xi32> to vector<16xi32>
    %swap3A_274 = vector.shape_cast %add3A_268 : vector<16xi32> to vector<1x16xi32>
    tpu.vector_store %arg6[%swap3A_270, %swap3A_271], %swap3A_274 {strides = array<i32>} : memref<4x128xi32, #tpu.memory_space<vmem>>, vector<1x16xi32>,
    %add3A_275 = arith.constant 96 : i32
    %add3A_276 = arith.addi %mul3A_4, %add3A_275 : i32
    %iota3A_277 = tpu.iota {dimensions = array<i32: 0>} : vector<16xi32>
    %add3A_278 = vector.broadcast %add3A_276 : i32 to vector<16xi32>
    %add3A_279 = arith.addi %add3A_278, %iota3A_277 : vector<16xi32>
    %get3A_280 = arith.constant 96 : index
    %get3A_281 = tpu.vector_load %arg5[%get3A_280] {strides = array<i32>} : memref<512xi32, #tpu.memory_space<vmem>>, vector<16xi32>,
    %get3A_282 = vector.shape_cast %get3A_281 : vector<16xi32> to vector<16xi32>
    %shift_right_arithmetic3A_283 = arith.constant 3 : i32
    %shift_right_arithmetic3A_284 = vector.broadcast %shift_right_arithmetic3A_283 : i32 to vector<16xi32>
    %shift_right_arithmetic3A_285 = arith.shrsi %add3A_279, %shift_right_arithmetic3A_284 : vector<16xi32>
    %mul3A_286 = arith.constant 32 : i32
    %mul3A_287 = vector.broadcast %mul3A_286 : i32 to vector<16xi32>
    %mul3A_288 = arith.muli %shift_right_arithmetic3A_285, %mul3A_287 : vector<16xi32>
    %shift_right_arithmetic3A_289 = arith.constant 7 : i32
    %shift_right_arithmetic3A_290 = vector.broadcast %shift_right_arithmetic3A_289 : i32 to vector<16xi32>
    %shift_right_arithmetic3A_291 = arith.shrsi %get3A_282, %shift_right_arithmetic3A_290 : vector<16xi32>
    %add3A_292 = arith.addi %mul3A_288, %shift_right_arithmetic3A_291 : vector<16xi32>
    %mul3A_293 = arith.constant 1024 : i32
    %mul3A_294 = vector.broadcast %mul3A_293 : i32 to vector<16xi32>
    %mul3A_295 = arith.muli %add3A_292, %mul3A_294 : vector<16xi32>
    %and3A_296 = arith.constant 7 : i32
    %and3A_297 = vector.broadcast %and3A_296 : i32 to vector<16xi32>
    %and3A_298 = arith.andi %add3A_279, %and3A_297 : vector<16xi32>
    %mul3A_299 = arith.constant 128 : i32
    %mul3A_300 = vector.broadcast %mul3A_299 : i32 to vector<16xi32>
    %mul3A_301 = arith.muli %and3A_298, %mul3A_300 : vector<16xi32>
    %add3A_302 = arith.addi %mul3A_295, %mul3A_301 : vector<16xi32>
    %and3A_303 = arith.constant 127 : i32
    %and3A_304 = vector.broadcast %and3A_303 : i32 to vector<16xi32>
    %and3A_305 = arith.andi %get3A_282, %and3A_304 : vector<16xi32>
    %add3A_306 = arith.addi %add3A_302, %and3A_305 : vector<16xi32>
    %swap3A_307 = arith.constant 0 : i32
    %swap3A_308 = arith.index_cast %swap3A_307 : i32 to index
    %swap3A_309 = arith.constant 96 : index
    %swap3A_310 = tpu.vector_load %arg6[%swap3A_308, %swap3A_309] {strides = array<i32>} : memref<4x128xi32, #tpu.memory_space<vmem>>, vector<1x16xi32>,
    %swap3A_311 = vector.shape_cast %swap3A_310 : vector<1x16xi32> to vector<16xi32>
    %swap3A_312 = vector.shape_cast %add3A_306 : vector<16xi32> to vector<1x16xi32>
    tpu.vector_store %arg6[%swap3A_308, %swap3A_309], %swap3A_312 {strides = array<i32>} : memref<4x128xi32, #tpu.memory_space<vmem>>, vector<1x16xi32>,
    %add3A_313 = arith.constant 112 : i32
    %add3A_314 = arith.addi %mul3A_4, %add3A_313 : i32
    %iota3A_315 = tpu.iota {dimensions = array<i32: 0>} : vector<16xi32>
    %add3A_316 = vector.broadcast %add3A_314 : i32 to vector<16xi32>
    %add3A_317 = arith.addi %add3A_316, %iota3A_315 : vector<16xi32>
    %get3A_318 = arith.constant 112 : index
    %get3A_319 = tpu.vector_load %arg5[%get3A_318] {strides = array<i32>} : memref<512xi32, #tpu.memory_space<vmem>>, vector<16xi32>,
    %get3A_320 = vector.shape_cast %get3A_319 : vector<16xi32> to vector<16xi32>
    %shift_right_arithmetic3A_321 = arith.constant 3 : i32
    %shift_right_arithmetic3A_322 = vector.broadcast %shift_right_arithmetic3A_321 : i32 to vector<16xi32>
    %shift_right_arithmetic3A_323 = arith.shrsi %add3A_317, %shift_right_arithmetic3A_322 : vector<16xi32>
    %mul3A_324 = arith.constant 32 : i32
    %mul3A_325 = vector.broadcast %mul3A_324 : i32 to vector<16xi32>
    %mul3A_326 = arith.muli %shift_right_arithmetic3A_323, %mul3A_325 : vector<16xi32>
    %shift_right_arithmetic3A_327 = arith.constant 7 : i32
    %shift_right_arithmetic3A_328 = vector.broadcast %shift_right_arithmetic3A_327 : i32 to vector<16xi32>
    %shift_right_arithmetic3A_329 = arith.shrsi %get3A_320, %shift_right_arithmetic3A_328 : vector<16xi32>
    %add3A_330 = arith.addi %mul3A_326, %shift_right_arithmetic3A_329 : vector<16xi32>
    %mul3A_331 = arith.constant 1024 : i32
    %mul3A_332 = vector.broadcast %mul3A_331 : i32 to vector<16xi32>
    %mul3A_333 = arith.muli %add3A_330, %mul3A_332 : vector<16xi32>
    %and3A_334 = arith.constant 7 : i32
    %and3A_335 = vector.broadcast %and3A_334 : i32 to vector<16xi32>
    %and3A_336 = arith.andi %add3A_317, %and3A_335 : vector<16xi32>
    %mul3A_337 = arith.constant 128 : i32
    %mul3A_338 = vector.broadcast %mul3A_337 : i32 to vector<16xi32>
    %mul3A_339 = arith.muli %and3A_336, %mul3A_338 : vector<16xi32>
    %add3A_340 = arith.addi %mul3A_333, %mul3A_339 : vector<16xi32>
    %and3A_341 = arith.constant 127 : i32
    %and3A_342 = vector.broadcast %and3A_341 : i32 to vector<16xi32>
    %and3A_343 = arith.andi %get3A_320, %and3A_342 : vector<16xi32>
    %add3A_344 = arith.addi %add3A_340, %and3A_343 : vector<16xi32>
    %swap3A_345 = arith.constant 0 : i32
    %swap3A_346 = arith.index_cast %swap3A_345 : i32 to index
    %swap3A_347 = arith.constant 112 : index
    %swap3A_348 = tpu.vector_load %arg6[%swap3A_346, %swap3A_347] {strides = array<i32>} : memref<4x128xi32, #tpu.memory_space<vmem>>, vector<1x16xi32>,
    %swap3A_349 = vector.shape_cast %swap3A_348 : vector<1x16xi32> to vector<16xi32>
    %swap3A_350 = vector.shape_cast %add3A_344 : vector<16xi32> to vector<1x16xi32>
    tpu.vector_store %arg6[%swap3A_346, %swap3A_347], %swap3A_350 {strides = array<i32>} : memref<4x128xi32, #tpu.memory_space<vmem>>, vector<1x16xi32>,
    %dma_start3A_351 = arith.constant 0 : i32
    %dma_start3A_352 = arith.constant 0 : i32
    %dma_start3A_353 = tpu.memref_slice %arg7[%dma_start3A_352] : memref<512xf32, #tpu.memory_space<vmem>> -> memref<128xf32, #tpu.memory_space<vmem>>
    %dma_start3A_354 = arith.constant 0 : i32
    %dma_start3A_355 = tpu.memref_slice %arg6[%dma_start3A_351, %dma_start3A_354] : memref<4x128xi32, #tpu.memory_space<vmem>> -> memref<1x128xi32, #tpu.memory_space<vmem>>
    %dma_start3A_356 = tpu.memref_squeeze %dma_start3A_355 : memref<1x128xi32, #tpu.memory_space<vmem>> -> memref<128xi32, #tpu.memory_space<vmem>>
    %dma_start3A_357 = arith.constant 0 : i32
    %dma_start3A_358 = tpu.memref_slice %arg2[%dma_start3A_357] : memref<33554432xf32, #tpu.memory_space<hbm>> -> memref<33554432xf32, #tpu.memory_space<hbm>>
    tpu.enqueue_indirect_dma source(%dma_start3A_358 : memref<33554432xf32, #tpu.memory_space<hbm>>) target(%dma_start3A_353 : memref<128xf32, #tpu.memory_space<vmem>>) offsets(%dma_start3A_356 : memref<128xi32, #tpu.memory_space<vmem>>) semaphore(%arg8 : memref<!tpu.dma_semaphore, #tpu.memory_space<semaphore_mem>>)
    %dma_wait3A_359 = arith.constant 128 : i32
    %dma_wait3A_360 = tpu.memref_slice %arg5[%dma_wait3A_359] : memref<512xi32, #tpu.memory_space<vmem>> -> memref<128xi32, #tpu.memory_space<vmem>>
    %dma_wait3A_361 = tpu.memref_slice %arg3[%shift_right_arithmetic3A_0, %add3A_14] : memref<4x2048xi32, #tpu.memory_space<hbm>> -> memref<1x128xi32, #tpu.memory_space<hbm>>
    %dma_wait3A_362 = tpu.memref_squeeze %dma_wait3A_361 : memref<1x128xi32, #tpu.memory_space<hbm>> -> memref<128xi32, #tpu.memory_space<hbm>>
    %dma_wait3A_363 = arith.constant 128 : i32
    %dma_wait3A_364 = tpu.memref_slice %arg5[%dma_wait3A_363] : memref<512xi32, #tpu.memory_space<vmem>> -> memref<128xi32, #tpu.memory_space<vmem>>
    %dma_wait3A_365 = tpu.memref_slice %arg3[%shift_right_arithmetic3A_0, %add3A_14] : memref<4x2048xi32, #tpu.memory_space<hbm>> -> memref<1x128xi32, #tpu.memory_space<hbm>>
    %dma_wait3A_366 = tpu.memref_squeeze %dma_wait3A_365 : memref<1x128xi32, #tpu.memory_space<hbm>> -> memref<128xi32, #tpu.memory_space<hbm>>
    tpu.wait_dma2 semaphore(%arg9 : memref<!tpu.dma_semaphore, #tpu.memory_space<semaphore_mem>>) src(%dma_wait3A_366 : memref<128xi32, #tpu.memory_space<hbm>>) dst(%dma_wait3A_364 : memref<128xi32, #tpu.memory_space<vmem>>)
    %add3A_367 = arith.constant 128 : i32
    %add3A_368 = arith.addi %mul3A_4, %add3A_367 : i32
    %iota3A_369 = tpu.iota {dimensions = array<i32: 0>} : vector<16xi32>
    %add3A_370 = vector.broadcast %add3A_368 : i32 to vector<16xi32>
    %add3A_371 = arith.addi %add3A_370, %iota3A_369 : vector<16xi32>
    %get3A_372 = arith.constant 128 : index
    %get3A_373 = tpu.vector_load %arg5[%get3A_372] {strides = array<i32>} : memref<512xi32, #tpu.memory_space<vmem>>, vector<16xi32>,
    %get3A_374 = vector.shape_cast %get3A_373 : vector<16xi32> to vector<16xi32>
    %shift_right_arithmetic3A_375 = arith.constant 3 : i32
    %shift_right_arithmetic3A_376 = vector.broadcast %shift_right_arithmetic3A_375 : i32 to vector<16xi32>
    %shift_right_arithmetic3A_377 = arith.shrsi %add3A_371, %shift_right_arithmetic3A_376 : vector<16xi32>
    %mul3A_378 = arith.constant 32 : i32
    %mul3A_379 = vector.broadcast %mul3A_378 : i32 to vector<16xi32>
    %mul3A_380 = arith.muli %shift_right_arithmetic3A_377, %mul3A_379 : vector<16xi32>
    %shift_right_arithmetic3A_381 = arith.constant 7 : i32
    %shift_right_arithmetic3A_382 = vector.broadcast %shift_right_arithmetic3A_381 : i32 to vector<16xi32>
    %shift_right_arithmetic3A_383 = arith.shrsi %get3A_374, %shift_right_arithmetic3A_382 : vector<16xi32>
    %add3A_384 = arith.addi %mul3A_380, %shift_right_arithmetic3A_383 : vector<16xi32>
    %mul3A_385 = arith.constant 1024 : i32
    %mul3A_386 = vector.broadcast %mul3A_385 : i32 to vector<16xi32>
    %mul3A_387 = arith.muli %add3A_384, %mul3A_386 : vector<16xi32>
    %and3A_388 = arith.constant 7 : i32
    %and3A_389 = vector.broadcast %and3A_388 : i32 to vector<16xi32>
    %and3A_390 = arith.andi %add3A_371, %and3A_389 : vector<16xi32>
    %mul3A_391 = arith.constant 128 : i32
    %mul3A_392 = vector.broadcast %mul3A_391 : i32 to vector<16xi32>
    %mul3A_393 = arith.muli %and3A_390, %mul3A_392 : vector<16xi32>
    %add3A_394 = arith.addi %mul3A_387, %mul3A_393 : vector<16xi32>
    %and3A_395 = arith.constant 127 : i32
    %and3A_396 = vector.broadcast %and3A_395 : i32 to vector<16xi32>
    %and3A_397 = arith.andi %get3A_374, %and3A_396 : vector<16xi32>
    %add3A_398 = arith.addi %add3A_394, %and3A_397 : vector<16xi32>
    %swap3A_399 = arith.constant 1 : i32
    %swap3A_400 = arith.index_cast %swap3A_399 : i32 to index
    %swap3A_401 = arith.constant 0 : index
    %swap3A_402 = tpu.vector_load %arg6[%swap3A_400, %swap3A_401] {strides = array<i32>} : memref<4x128xi32, #tpu.memory_space<vmem>>, vector<1x16xi32>,
    %swap3A_403 = vector.shape_cast %swap3A_402 : vector<1x16xi32> to vector<16xi32>
    %swap3A_404 = vector.shape_cast %add3A_398 : vector<16xi32> to vector<1x16xi32>
    tpu.vector_store %arg6[%swap3A_400, %swap3A_401], %swap3A_404 {strides = array<i32>} : memref<4x128xi32, #tpu.memory_space<vmem>>, vector<1x16xi32>,
    %add3A_405 = arith.constant 144 : i32
    %add3A_406 = arith.addi %mul3A_4, %add3A_405 : i32
    %iota3A_407 = tpu.iota {dimensions = array<i32: 0>} : vector<16xi32>
    %add3A_408 = vector.broadcast %add3A_406 : i32 to vector<16xi32>
    %add3A_409 = arith.addi %add3A_408, %iota3A_407 : vector<16xi32>
    %get3A_410 = arith.constant 144 : index
    %get3A_411 = tpu.vector_load %arg5[%get3A_410] {strides = array<i32>} : memref<512xi32, #tpu.memory_space<vmem>>, vector<16xi32>,
    %get3A_412 = vector.shape_cast %get3A_411 : vector<16xi32> to vector<16xi32>
    %shift_right_arithmetic3A_413 = arith.constant 3 : i32
    %shift_right_arithmetic3A_414 = vector.broadcast %shift_right_arithmetic3A_413 : i32 to vector<16xi32>
    %shift_right_arithmetic3A_415 = arith.shrsi %add3A_409, %shift_right_arithmetic3A_414 : vector<16xi32>
    %mul3A_416 = arith.constant 32 : i32
    %mul3A_417 = vector.broadcast %mul3A_416 : i32 to vector<16xi32>
    %mul3A_418 = arith.muli %shift_right_arithmetic3A_415, %mul3A_417 : vector<16xi32>
    %shift_right_arithmetic3A_419 = arith.constant 7 : i32
    %shift_right_arithmetic3A_420 = vector.broadcast %shift_right_arithmetic3A_419 : i32 to vector<16xi32>
    %shift_right_arithmetic3A_421 = arith.shrsi %get3A_412, %shift_right_arithmetic3A_420 : vector<16xi32>
    %add3A_422 = arith.addi %mul3A_418, %shift_right_arithmetic3A_421 : vector<16xi32>
    %mul3A_423 = arith.constant 1024 : i32
    %mul3A_424 = vector.broadcast %mul3A_423 : i32 to vector<16xi32>
    %mul3A_425 = arith.muli %add3A_422, %mul3A_424 : vector<16xi32>
    %and3A_426 = arith.constant 7 : i32
    %and3A_427 = vector.broadcast %and3A_426 : i32 to vector<16xi32>
    %and3A_428 = arith.andi %add3A_409, %and3A_427 : vector<16xi32>
    %mul3A_429 = arith.constant 128 : i32
    %mul3A_430 = vector.broadcast %mul3A_429 : i32 to vector<16xi32>
    %mul3A_431 = arith.muli %and3A_428, %mul3A_430 : vector<16xi32>
    %add3A_432 = arith.addi %mul3A_425, %mul3A_431 : vector<16xi32>
    %and3A_433 = arith.constant 127 : i32
    %and3A_434 = vector.broadcast %and3A_433 : i32 to vector<16xi32>
    %and3A_435 = arith.andi %get3A_412, %and3A_434 : vector<16xi32>
    %add3A_436 = arith.addi %add3A_432, %and3A_435 : vector<16xi32>
    %swap3A_437 = arith.constant 1 : i32
    %swap3A_438 = arith.index_cast %swap3A_437 : i32 to index
    %swap3A_439 = arith.constant 16 : index
    %swap3A_440 = tpu.vector_load %arg6[%swap3A_438, %swap3A_439] {strides = array<i32>} : memref<4x128xi32, #tpu.memory_space<vmem>>, vector<1x16xi32>,
    %swap3A_441 = vector.shape_cast %swap3A_440 : vector<1x16xi32> to vector<16xi32>
    %swap3A_442 = vector.shape_cast %add3A_436 : vector<16xi32> to vector<1x16xi32>
    tpu.vector_store %arg6[%swap3A_438, %swap3A_439], %swap3A_442 {strides = array<i32>} : memref<4x128xi32, #tpu.memory_space<vmem>>, vector<1x16xi32>,
    %add3A_443 = arith.constant 160 : i32
    %add3A_444 = arith.addi %mul3A_4, %add3A_443 : i32
    %iota3A_445 = tpu.iota {dimensions = array<i32: 0>} : vector<16xi32>
    %add3A_446 = vector.broadcast %add3A_444 : i32 to vector<16xi32>
    %add3A_447 = arith.addi %add3A_446, %iota3A_445 : vector<16xi32>
    %get3A_448 = arith.constant 160 : index
    %get3A_449 = tpu.vector_load %arg5[%get3A_448] {strides = array<i32>} : memref<512xi32, #tpu.memory_space<vmem>>, vector<16xi32>,
    %get3A_450 = vector.shape_cast %get3A_449 : vector<16xi32> to vector<16xi32>
    %shift_right_arithmetic3A_451 = arith.constant 3 : i32
    %shift_right_arithmetic3A_452 = vector.broadcast %shift_right_arithmetic3A_451 : i32 to vector<16xi32>
    %shift_right_arithmetic3A_453 = arith.shrsi %add3A_447, %shift_right_arithmetic3A_452 : vector<16xi32>
    %mul3A_454 = arith.constant 32 : i32
    %mul3A_455 = vector.broadcast %mul3A_454 : i32 to vector<16xi32>
    %mul3A_456 = arith.muli %shift_right_arithmetic3A_453, %mul3A_455 : vector<16xi32>
    %shift_right_arithmetic3A_457 = arith.constant 7 : i32
    %shift_right_arithmetic3A_458 = vector.broadcast %shift_right_arithmetic3A_457 : i32 to vector<16xi32>
    %shift_right_arithmetic3A_459 = arith.shrsi %get3A_450, %shift_right_arithmetic3A_458 : vector<16xi32>
    %add3A_460 = arith.addi %mul3A_456, %shift_right_arithmetic3A_459 : vector<16xi32>
    %mul3A_461 = arith.constant 1024 : i32
    %mul3A_462 = vector.broadcast %mul3A_461 : i32 to vector<16xi32>
    %mul3A_463 = arith.muli %add3A_460, %mul3A_462 : vector<16xi32>
    %and3A_464 = arith.constant 7 : i32
    %and3A_465 = vector.broadcast %and3A_464 : i32 to vector<16xi32>
    %and3A_466 = arith.andi %add3A_447, %and3A_465 : vector<16xi32>
    %mul3A_467 = arith.constant 128 : i32
    %mul3A_468 = vector.broadcast %mul3A_467 : i32 to vector<16xi32>
    %mul3A_469 = arith.muli %and3A_466, %mul3A_468 : vector<16xi32>
    %add3A_470 = arith.addi %mul3A_463, %mul3A_469 : vector<16xi32>
    %and3A_471 = arith.constant 127 : i32
    %and3A_472 = vector.broadcast %and3A_471 : i32 to vector<16xi32>
    %and3A_473 = arith.andi %get3A_450, %and3A_472 : vector<16xi32>
    %add3A_474 = arith.addi %add3A_470, %and3A_473 : vector<16xi32>
    %swap3A_475 = arith.constant 1 : i32
    %swap3A_476 = arith.index_cast %swap3A_475 : i32 to index
    %swap3A_477 = arith.constant 32 : index
    %swap3A_478 = tpu.vector_load %arg6[%swap3A_476, %swap3A_477] {strides = array<i32>} : memref<4x128xi32, #tpu.memory_space<vmem>>, vector<1x16xi32>,
    %swap3A_479 = vector.shape_cast %swap3A_478 : vector<1x16xi32> to vector<16xi32>
    %swap3A_480 = vector.shape_cast %add3A_474 : vector<16xi32> to vector<1x16xi32>
    tpu.vector_store %arg6[%swap3A_476, %swap3A_477], %swap3A_480 {strides = array<i32>} : memref<4x128xi32, #tpu.memory_space<vmem>>, vector<1x16xi32>,
    %add3A_481 = arith.constant 176 : i32
    %add3A_482 = arith.addi %mul3A_4, %add3A_481 : i32
    %iota3A_483 = tpu.iota {dimensions = array<i32: 0>} : vector<16xi32>
    %add3A_484 = vector.broadcast %add3A_482 : i32 to vector<16xi32>
    %add3A_485 = arith.addi %add3A_484, %iota3A_483 : vector<16xi32>
    %get3A_486 = arith.constant 176 : index
    %get3A_487 = tpu.vector_load %arg5[%get3A_486] {strides = array<i32>} : memref<512xi32, #tpu.memory_space<vmem>>, vector<16xi32>,
    %get3A_488 = vector.shape_cast %get3A_487 : vector<16xi32> to vector<16xi32>
    %shift_right_arithmetic3A_489 = arith.constant 3 : i32
    %shift_right_arithmetic3A_490 = vector.broadcast %shift_right_arithmetic3A_489 : i32 to vector<16xi32>
    %shift_right_arithmetic3A_491 = arith.shrsi %add3A_485, %shift_right_arithmetic3A_490 : vector<16xi32>
    %mul3A_492 = arith.constant 32 : i32
    %mul3A_493 = vector.broadcast %mul3A_492 : i32 to vector<16xi32>
    %mul3A_494 = arith.muli %shift_right_arithmetic3A_491, %mul3A_493 : vector<16xi32>
    %shift_right_arithmetic3A_495 = arith.constant 7 : i32
    %shift_right_arithmetic3A_496 = vector.broadcast %shift_right_arithmetic3A_495 : i32 to vector<16xi32>
    %shift_right_arithmetic3A_497 = arith.shrsi %get3A_488, %shift_right_arithmetic3A_496 : vector<16xi32>
    %add3A_498 = arith.addi %mul3A_494, %shift_right_arithmetic3A_497 : vector<16xi32>
    %mul3A_499 = arith.constant 1024 : i32
    %mul3A_500 = vector.broadcast %mul3A_499 : i32 to vector<16xi32>
    %mul3A_501 = arith.muli %add3A_498, %mul3A_500 : vector<16xi32>
    %and3A_502 = arith.constant 7 : i32
    %and3A_503 = vector.broadcast %and3A_502 : i32 to vector<16xi32>
    %and3A_504 = arith.andi %add3A_485, %and3A_503 : vector<16xi32>
    %mul3A_505 = arith.constant 128 : i32
    %mul3A_506 = vector.broadcast %mul3A_505 : i32 to vector<16xi32>
    %mul3A_507 = arith.muli %and3A_504, %mul3A_506 : vector<16xi32>
    %add3A_508 = arith.addi %mul3A_501, %mul3A_507 : vector<16xi32>
    %and3A_509 = arith.constant 127 : i32
    %and3A_510 = vector.broadcast %and3A_509 : i32 to vector<16xi32>
    %and3A_511 = arith.andi %get3A_488, %and3A_510 : vector<16xi32>
    %add3A_512 = arith.addi %add3A_508, %and3A_511 : vector<16xi32>
    %swap3A_513 = arith.constant 1 : i32
    %swap3A_514 = arith.index_cast %swap3A_513 : i32 to index
    %swap3A_515 = arith.constant 48 : index
    %swap3A_516 = tpu.vector_load %arg6[%swap3A_514, %swap3A_515] {strides = array<i32>} : memref<4x128xi32, #tpu.memory_space<vmem>>, vector<1x16xi32>,
    %swap3A_517 = vector.shape_cast %swap3A_516 : vector<1x16xi32> to vector<16xi32>
    %swap3A_518 = vector.shape_cast %add3A_512 : vector<16xi32> to vector<1x16xi32>
    tpu.vector_store %arg6[%swap3A_514, %swap3A_515], %swap3A_518 {strides = array<i32>} : memref<4x128xi32, #tpu.memory_space<vmem>>, vector<1x16xi32>,
    %add3A_519 = arith.constant 192 : i32
    %add3A_520 = arith.addi %mul3A_4, %add3A_519 : i32
    %iota3A_521 = tpu.iota {dimensions = array<i32: 0>} : vector<16xi32>
    %add3A_522 = vector.broadcast %add3A_520 : i32 to vector<16xi32>
    %add3A_523 = arith.addi %add3A_522, %iota3A_521 : vector<16xi32>
    %get3A_524 = arith.constant 192 : index
    %get3A_525 = tpu.vector_load %arg5[%get3A_524] {strides = array<i32>} : memref<512xi32, #tpu.memory_space<vmem>>, vector<16xi32>,
    %get3A_526 = vector.shape_cast %get3A_525 : vector<16xi32> to vector<16xi32>
    %shift_right_arithmetic3A_527 = arith.constant 3 : i32
    %shift_right_arithmetic3A_528 = vector.broadcast %shift_right_arithmetic3A_527 : i32 to vector<16xi32>
    %shift_right_arithmetic3A_529 = arith.shrsi %add3A_523, %shift_right_arithmetic3A_528 : vector<16xi32>
    %mul3A_530 = arith.constant 32 : i32
    %mul3A_531 = vector.broadcast %mul3A_530 : i32 to vector<16xi32>
    %mul3A_532 = arith.muli %shift_right_arithmetic3A_529, %mul3A_531 : vector<16xi32>
    %shift_right_arithmetic3A_533 = arith.constant 7 : i32
    %shift_right_arithmetic3A_534 = vector.broadcast %shift_right_arithmetic3A_533 : i32 to vector<16xi32>
    %shift_right_arithmetic3A_535 = arith.shrsi %get3A_526, %shift_right_arithmetic3A_534 : vector<16xi32>
    %add3A_536 = arith.addi %mul3A_532, %shift_right_arithmetic3A_535 : vector<16xi32>
    %mul3A_537 = arith.constant 1024 : i32
    %mul3A_538 = vector.broadcast %mul3A_537 : i32 to vector<16xi32>
    %mul3A_539 = arith.muli %add3A_536, %mul3A_538 : vector<16xi32>
    %and3A_540 = arith.constant 7 : i32
    %and3A_541 = vector.broadcast %and3A_540 : i32 to vector<16xi32>
    %and3A_542 = arith.andi %add3A_523, %and3A_541 : vector<16xi32>
    %mul3A_543 = arith.constant 128 : i32
    %mul3A_544 = vector.broadcast %mul3A_543 : i32 to vector<16xi32>
    %mul3A_545 = arith.muli %and3A_542, %mul3A_544 : vector<16xi32>
    %add3A_546 = arith.addi %mul3A_539, %mul3A_545 : vector<16xi32>
    %and3A_547 = arith.constant 127 : i32
    %and3A_548 = vector.broadcast %and3A_547 : i32 to vector<16xi32>
    %and3A_549 = arith.andi %get3A_526, %and3A_548 : vector<16xi32>
    %add3A_550 = arith.addi %add3A_546, %and3A_549 : vector<16xi32>
    %swap3A_551 = arith.constant 1 : i32
    %swap3A_552 = arith.index_cast %swap3A_551 : i32 to index
    %swap3A_553 = arith.constant 64 : index
    %swap3A_554 = tpu.vector_load %arg6[%swap3A_552, %swap3A_553] {strides = array<i32>} : memref<4x128xi32, #tpu.memory_space<vmem>>, vector<1x16xi32>,
    %swap3A_555 = vector.shape_cast %swap3A_554 : vector<1x16xi32> to vector<16xi32>
    %swap3A_556 = vector.shape_cast %add3A_550 : vector<16xi32> to vector<1x16xi32>
    tpu.vector_store %arg6[%swap3A_552, %swap3A_553], %swap3A_556 {strides = array<i32>} : memref<4x128xi32, #tpu.memory_space<vmem>>, vector<1x16xi32>,
    %add3A_557 = arith.constant 208 : i32
    %add3A_558 = arith.addi %mul3A_4, %add3A_557 : i32
    %iota3A_559 = tpu.iota {dimensions = array<i32: 0>} : vector<16xi32>
    %add3A_560 = vector.broadcast %add3A_558 : i32 to vector<16xi32>
    %add3A_561 = arith.addi %add3A_560, %iota3A_559 : vector<16xi32>
    %get3A_562 = arith.constant 208 : index
    %get3A_563 = tpu.vector_load %arg5[%get3A_562] {strides = array<i32>} : memref<512xi32, #tpu.memory_space<vmem>>, vector<16xi32>,
    %get3A_564 = vector.shape_cast %get3A_563 : vector<16xi32> to vector<16xi32>
    %shift_right_arithmetic3A_565 = arith.constant 3 : i32
    %shift_right_arithmetic3A_566 = vector.broadcast %shift_right_arithmetic3A_565 : i32 to vector<16xi32>
    %shift_right_arithmetic3A_567 = arith.shrsi %add3A_561, %shift_right_arithmetic3A_566 : vector<16xi32>
    %mul3A_568 = arith.constant 32 : i32
    %mul3A_569 = vector.broadcast %mul3A_568 : i32 to vector<16xi32>
    %mul3A_570 = arith.muli %shift_right_arithmetic3A_567, %mul3A_569 : vector<16xi32>
    %shift_right_arithmetic3A_571 = arith.constant 7 : i32
    %shift_right_arithmetic3A_572 = vector.broadcast %shift_right_arithmetic3A_571 : i32 to vector<16xi32>
    %shift_right_arithmetic3A_573 = arith.shrsi %get3A_564, %shift_right_arithmetic3A_572 : vector<16xi32>
    %add3A_574 = arith.addi %mul3A_570, %shift_right_arithmetic3A_573 : vector<16xi32>
    %mul3A_575 = arith.constant 1024 : i32
    %mul3A_576 = vector.broadcast %mul3A_575 : i32 to vector<16xi32>
    %mul3A_577 = arith.muli %add3A_574, %mul3A_576 : vector<16xi32>
    %and3A_578 = arith.constant 7 : i32
    %and3A_579 = vector.broadcast %and3A_578 : i32 to vector<16xi32>
    %and3A_580 = arith.andi %add3A_561, %and3A_579 : vector<16xi32>
    %mul3A_581 = arith.constant 128 : i32
    %mul3A_582 = vector.broadcast %mul3A_581 : i32 to vector<16xi32>
    %mul3A_583 = arith.muli %and3A_580, %mul3A_582 : vector<16xi32>
    %add3A_584 = arith.addi %mul3A_577, %mul3A_583 : vector<16xi32>
    %and3A_585 = arith.constant 127 : i32
    %and3A_586 = vector.broadcast %and3A_585 : i32 to vector<16xi32>
    %and3A_587 = arith.andi %get3A_564, %and3A_586 : vector<16xi32>
    %add3A_588 = arith.addi %add3A_584, %and3A_587 : vector<16xi32>
    %swap3A_589 = arith.constant 1 : i32
    %swap3A_590 = arith.index_cast %swap3A_589 : i32 to index
    %swap3A_591 = arith.constant 80 : index
    %swap3A_592 = tpu.vector_load %arg6[%swap3A_590, %swap3A_591] {strides = array<i32>} : memref<4x128xi32, #tpu.memory_space<vmem>>, vector<1x16xi32>,
    %swap3A_593 = vector.shape_cast %swap3A_592 : vector<1x16xi32> to vector<16xi32>
    %swap3A_594 = vector.shape_cast %add3A_588 : vector<16xi32> to vector<1x16xi32>
    tpu.vector_store %arg6[%swap3A_590, %swap3A_591], %swap3A_594 {strides = array<i32>} : memref<4x128xi32, #tpu.memory_space<vmem>>, vector<1x16xi32>,
    %add3A_595 = arith.constant 224 : i32
    %add3A_596 = arith.addi %mul3A_4, %add3A_595 : i32
    %iota3A_597 = tpu.iota {dimensions = array<i32: 0>} : vector<16xi32>
    %add3A_598 = vector.broadcast %add3A_596 : i32 to vector<16xi32>
    %add3A_599 = arith.addi %add3A_598, %iota3A_597 : vector<16xi32>
    %get3A_600 = arith.constant 224 : index
    %get3A_601 = tpu.vector_load %arg5[%get3A_600] {strides = array<i32>} : memref<512xi32, #tpu.memory_space<vmem>>, vector<16xi32>,
    %get3A_602 = vector.shape_cast %get3A_601 : vector<16xi32> to vector<16xi32>
    %shift_right_arithmetic3A_603 = arith.constant 3 : i32
    %shift_right_arithmetic3A_604 = vector.broadcast %shift_right_arithmetic3A_603 : i32 to vector<16xi32>
    %shift_right_arithmetic3A_605 = arith.shrsi %add3A_599, %shift_right_arithmetic3A_604 : vector<16xi32>
    %mul3A_606 = arith.constant 32 : i32
    %mul3A_607 = vector.broadcast %mul3A_606 : i32 to vector<16xi32>
    %mul3A_608 = arith.muli %shift_right_arithmetic3A_605, %mul3A_607 : vector<16xi32>
    %shift_right_arithmetic3A_609 = arith.constant 7 : i32
    %shift_right_arithmetic3A_610 = vector.broadcast %shift_right_arithmetic3A_609 : i32 to vector<16xi32>
    %shift_right_arithmetic3A_611 = arith.shrsi %get3A_602, %shift_right_arithmetic3A_610 : vector<16xi32>
    %add3A_612 = arith.addi %mul3A_608, %shift_right_arithmetic3A_611 : vector<16xi32>
    %mul3A_613 = arith.constant 1024 : i32
    %mul3A_614 = vector.broadcast %mul3A_613 : i32 to vector<16xi32>
    %mul3A_615 = arith.muli %add3A_612, %mul3A_614 : vector<16xi32>
    %and3A_616 = arith.constant 7 : i32
    %and3A_617 = vector.broadcast %and3A_616 : i32 to vector<16xi32>
    %and3A_618 = arith.andi %add3A_599, %and3A_617 : vector<16xi32>
    %mul3A_619 = arith.constant 128 : i32
    %mul3A_620 = vector.broadcast %mul3A_619 : i32 to vector<16xi32>
    %mul3A_621 = arith.muli %and3A_618, %mul3A_620 : vector<16xi32>
    %add3A_622 = arith.addi %mul3A_615, %mul3A_621 : vector<16xi32>
    %and3A_623 = arith.constant 127 : i32
    %and3A_624 = vector.broadcast %and3A_623 : i32 to vector<16xi32>
    %and3A_625 = arith.andi %get3A_602, %and3A_624 : vector<16xi32>
    %add3A_626 = arith.addi %add3A_622, %and3A_625 : vector<16xi32>
    %swap3A_627 = arith.constant 1 : i32
    %swap3A_628 = arith.index_cast %swap3A_627 : i32 to index
    %swap3A_629 = arith.constant 96 : index
    %swap3A_630 = tpu.vector_load %arg6[%swap3A_628, %swap3A_629] {strides = array<i32>} : memref<4x128xi32, #tpu.memory_space<vmem>>, vector<1x16xi32>,
    %swap3A_631 = vector.shape_cast %swap3A_630 : vector<1x16xi32> to vector<16xi32>
    %swap3A_632 = vector.shape_cast %add3A_626 : vector<16xi32> to vector<1x16xi32>
    tpu.vector_store %arg6[%swap3A_628, %swap3A_629], %swap3A_632 {strides = array<i32>} : memref<4x128xi32, #tpu.memory_space<vmem>>, vector<1x16xi32>,
    %add3A_633 = arith.constant 240 : i32
    %add3A_634 = arith.addi %mul3A_4, %add3A_633 : i32
    %iota3A_635 = tpu.iota {dimensions = array<i32: 0>} : vector<16xi32>
    %add3A_636 = vector.broadcast %add3A_634 : i32 to vector<16xi32>
    %add3A_637 = arith.addi %add3A_636, %iota3A_635 : vector<16xi32>
    %get3A_638 = arith.constant 240 : index
    %get3A_639 = tpu.vector_load %arg5[%get3A_638] {strides = array<i32>} : memref<512xi32, #tpu.memory_space<vmem>>, vector<16xi32>,
    %get3A_640 = vector.shape_cast %get3A_639 : vector<16xi32> to vector<16xi32>
    %shift_right_arithmetic3A_641 = arith.constant 3 : i32
    %shift_right_arithmetic3A_642 = vector.broadcast %shift_right_arithmetic3A_641 : i32 to vector<16xi32>
    %shift_right_arithmetic3A_643 = arith.shrsi %add3A_637, %shift_right_arithmetic3A_642 : vector<16xi32>
    %mul3A_644 = arith.constant 32 : i32
    %mul3A_645 = vector.broadcast %mul3A_644 : i32 to vector<16xi32>
    %mul3A_646 = arith.muli %shift_right_arithmetic3A_643, %mul3A_645 : vector<16xi32>
    %shift_right_arithmetic3A_647 = arith.constant 7 : i32
    %shift_right_arithmetic3A_648 = vector.broadcast %shift_right_arithmetic3A_647 : i32 to vector<16xi32>
    %shift_right_arithmetic3A_649 = arith.shrsi %get3A_640, %shift_right_arithmetic3A_648 : vector<16xi32>
    %add3A_650 = arith.addi %mul3A_646, %shift_right_arithmetic3A_649 : vector<16xi32>
    %mul3A_651 = arith.constant 1024 : i32
    %mul3A_652 = vector.broadcast %mul3A_651 : i32 to vector<16xi32>
    %mul3A_653 = arith.muli %add3A_650, %mul3A_652 : vector<16xi32>
    %and3A_654 = arith.constant 7 : i32
    %and3A_655 = vector.broadcast %and3A_654 : i32 to vector<16xi32>
    %and3A_656 = arith.andi %add3A_637, %and3A_655 : vector<16xi32>
    %mul3A_657 = arith.constant 128 : i32
    %mul3A_658 = vector.broadcast %mul3A_657 : i32 to vector<16xi32>
    %mul3A_659 = arith.muli %and3A_656, %mul3A_658 : vector<16xi32>
    %add3A_660 = arith.addi %mul3A_653, %mul3A_659 : vector<16xi32>
    %and3A_661 = arith.constant 127 : i32
    %and3A_662 = vector.broadcast %and3A_661 : i32 to vector<16xi32>
    %and3A_663 = arith.andi %get3A_640, %and3A_662 : vector<16xi32>
    %add3A_664 = arith.addi %add3A_660, %and3A_663 : vector<16xi32>
    %swap3A_665 = arith.constant 1 : i32
    %swap3A_666 = arith.index_cast %swap3A_665 : i32 to index
    %swap3A_667 = arith.constant 112 : index
    %swap3A_668 = tpu.vector_load %arg6[%swap3A_666, %swap3A_667] {strides = array<i32>} : memref<4x128xi32, #tpu.memory_space<vmem>>, vector<1x16xi32>,
    %swap3A_669 = vector.shape_cast %swap3A_668 : vector<1x16xi32> to vector<16xi32>
    %swap3A_670 = vector.shape_cast %add3A_664 : vector<16xi32> to vector<1x16xi32>
    tpu.vector_store %arg6[%swap3A_666, %swap3A_667], %swap3A_670 {strides = array<i32>} : memref<4x128xi32, #tpu.memory_space<vmem>>, vector<1x16xi32>,
    %dma_start3A_671 = arith.constant 1 : i32
    %dma_start3A_672 = arith.constant 128 : i32
    %dma_start3A_673 = tpu.memref_slice %arg7[%dma_start3A_672] : memref<512xf32, #tpu.memory_space<vmem>> -> memref<128xf32, #tpu.memory_space<vmem>>
    %dma_start3A_674 = arith.constant 0 : i32
    %dma_start3A_675 = tpu.memref_slice %arg6[%dma_start3A_671, %dma_start3A_674] : memref<4x128xi32, #tpu.memory_space<vmem>> -> memref<1x128xi32, #tpu.memory_space<vmem>>
    %dma_start3A_676 = tpu.memref_squeeze %dma_start3A_675 : memref<1x128xi32, #tpu.memory_space<vmem>> -> memref<128xi32, #tpu.memory_space<vmem>>
    %dma_start3A_677 = arith.constant 0 : i32
    %dma_start3A_678 = tpu.memref_slice %arg2[%dma_start3A_677] : memref<33554432xf32, #tpu.memory_space<hbm>> -> memref<33554432xf32, #tpu.memory_space<hbm>>
    tpu.enqueue_indirect_dma source(%dma_start3A_678 : memref<33554432xf32, #tpu.memory_space<hbm>>) target(%dma_start3A_673 : memref<128xf32, #tpu.memory_space<vmem>>) offsets(%dma_start3A_676 : memref<128xi32, #tpu.memory_space<vmem>>) semaphore(%arg8 : memref<!tpu.dma_semaphore, #tpu.memory_space<semaphore_mem>>)
    %dma_wait3A_679 = arith.constant 256 : i32
    %dma_wait3A_680 = tpu.memref_slice %arg5[%dma_wait3A_679] : memref<512xi32, #tpu.memory_space<vmem>> -> memref<128xi32, #tpu.memory_space<vmem>>
    %dma_wait3A_681 = tpu.memref_slice %arg3[%shift_right_arithmetic3A_0, %add3A_24] : memref<4x2048xi32, #tpu.memory_space<hbm>> -> memref<1x128xi32, #tpu.memory_space<hbm>>
    %dma_wait3A_682 = tpu.memref_squeeze %dma_wait3A_681 : memref<1x128xi32, #tpu.memory_space<hbm>> -> memref<128xi32, #tpu.memory_space<hbm>>
    %dma_wait3A_683 = arith.constant 256 : i32
    %dma_wait3A_684 = tpu.memref_slice %arg5[%dma_wait3A_683] : memref<512xi32, #tpu.memory_space<vmem>> -> memref<128xi32, #tpu.memory_space<vmem>>
    %dma_wait3A_685 = tpu.memref_slice %arg3[%shift_right_arithmetic3A_0, %add3A_24] : memref<4x2048xi32, #tpu.memory_space<hbm>> -> memref<1x128xi32, #tpu.memory_space<hbm>>
    %dma_wait3A_686 = tpu.memref_squeeze %dma_wait3A_685 : memref<1x128xi32, #tpu.memory_space<hbm>> -> memref<128xi32, #tpu.memory_space<hbm>>
    tpu.wait_dma2 semaphore(%arg9 : memref<!tpu.dma_semaphore, #tpu.memory_space<semaphore_mem>>) src(%dma_wait3A_686 : memref<128xi32, #tpu.memory_space<hbm>>) dst(%dma_wait3A_684 : memref<128xi32, #tpu.memory_space<vmem>>)
    %add3A_687 = arith.constant 256 : i32
    %add3A_688 = arith.addi %mul3A_4, %add3A_687 : i32
    %iota3A_689 = tpu.iota {dimensions = array<i32: 0>} : vector<16xi32>
    %add3A_690 = vector.broadcast %add3A_688 : i32 to vector<16xi32>
    %add3A_691 = arith.addi %add3A_690, %iota3A_689 : vector<16xi32>
    %get3A_692 = arith.constant 256 : index
    %get3A_693 = tpu.vector_load %arg5[%get3A_692] {strides = array<i32>} : memref<512xi32, #tpu.memory_space<vmem>>, vector<16xi32>,
    %get3A_694 = vector.shape_cast %get3A_693 : vector<16xi32> to vector<16xi32>
    %shift_right_arithmetic3A_695 = arith.constant 3 : i32
    %shift_right_arithmetic3A_696 = vector.broadcast %shift_right_arithmetic3A_695 : i32 to vector<16xi32>
    %shift_right_arithmetic3A_697 = arith.shrsi %add3A_691, %shift_right_arithmetic3A_696 : vector<16xi32>
    %mul3A_698 = arith.constant 32 : i32
    %mul3A_699 = vector.broadcast %mul3A_698 : i32 to vector<16xi32>
    %mul3A_700 = arith.muli %shift_right_arithmetic3A_697, %mul3A_699 : vector<16xi32>
    %shift_right_arithmetic3A_701 = arith.constant 7 : i32
    %shift_right_arithmetic3A_702 = vector.broadcast %shift_right_arithmetic3A_701 : i32 to vector<16xi32>
    %shift_right_arithmetic3A_703 = arith.shrsi %get3A_694, %shift_right_arithmetic3A_702 : vector<16xi32>
    %add3A_704 = arith.addi %mul3A_700, %shift_right_arithmetic3A_703 : vector<16xi32>
    %mul3A_705 = arith.constant 1024 : i32
    %mul3A_706 = vector.broadcast %mul3A_705 : i32 to vector<16xi32>
    %mul3A_707 = arith.muli %add3A_704, %mul3A_706 : vector<16xi32>
    %and3A_708 = arith.constant 7 : i32
    %and3A_709 = vector.broadcast %and3A_708 : i32 to vector<16xi32>
    %and3A_710 = arith.andi %add3A_691, %and3A_709 : vector<16xi32>
    %mul3A_711 = arith.constant 128 : i32
    %mul3A_712 = vector.broadcast %mul3A_711 : i32 to vector<16xi32>
    %mul3A_713 = arith.muli %and3A_710, %mul3A_712 : vector<16xi32>
    %add3A_714 = arith.addi %mul3A_707, %mul3A_713 : vector<16xi32>
    %and3A_715 = arith.constant 127 : i32
    %and3A_716 = vector.broadcast %and3A_715 : i32 to vector<16xi32>
    %and3A_717 = arith.andi %get3A_694, %and3A_716 : vector<16xi32>
    %add3A_718 = arith.addi %add3A_714, %and3A_717 : vector<16xi32>
    %swap3A_719 = arith.constant 2 : i32
    %swap3A_720 = arith.index_cast %swap3A_719 : i32 to index
    %swap3A_721 = arith.constant 0 : index
    %swap3A_722 = tpu.vector_load %arg6[%swap3A_720, %swap3A_721] {strides = array<i32>} : memref<4x128xi32, #tpu.memory_space<vmem>>, vector<1x16xi32>,
    %swap3A_723 = vector.shape_cast %swap3A_722 : vector<1x16xi32> to vector<16xi32>
    %swap3A_724 = vector.shape_cast %add3A_718 : vector<16xi32> to vector<1x16xi32>
    tpu.vector_store %arg6[%swap3A_720, %swap3A_721], %swap3A_724 {strides = array<i32>} : memref<4x128xi32, #tpu.memory_space<vmem>>, vector<1x16xi32>,
    %add3A_725 = arith.constant 272 : i32
    %add3A_726 = arith.addi %mul3A_4, %add3A_725 : i32
    %iota3A_727 = tpu.iota {dimensions = array<i32: 0>} : vector<16xi32>
    %add3A_728 = vector.broadcast %add3A_726 : i32 to vector<16xi32>
    %add3A_729 = arith.addi %add3A_728, %iota3A_727 : vector<16xi32>
    %get3A_730 = arith.constant 272 : index
    %get3A_731 = tpu.vector_load %arg5[%get3A_730] {strides = array<i32>} : memref<512xi32, #tpu.memory_space<vmem>>, vector<16xi32>,
    %get3A_732 = vector.shape_cast %get3A_731 : vector<16xi32> to vector<16xi32>
    %shift_right_arithmetic3A_733 = arith.constant 3 : i32
    %shift_right_arithmetic3A_734 = vector.broadcast %shift_right_arithmetic3A_733 : i32 to vector<16xi32>
    %shift_right_arithmetic3A_735 = arith.shrsi %add3A_729, %shift_right_arithmetic3A_734 : vector<16xi32>
    %mul3A_736 = arith.constant 32 : i32
    %mul3A_737 = vector.broadcast %mul3A_736 : i32 to vector<16xi32>
    %mul3A_738 = arith.muli %shift_right_arithmetic3A_735, %mul3A_737 : vector<16xi32>
    %shift_right_arithmetic3A_739 = arith.constant 7 : i32
    %shift_right_arithmetic3A_740 = vector.broadcast %shift_right_arithmetic3A_739 : i32 to vector<16xi32>
    %shift_right_arithmetic3A_741 = arith.shrsi %get3A_732, %shift_right_arithmetic3A_740 : vector<16xi32>
    %add3A_742 = arith.addi %mul3A_738, %shift_right_arithmetic3A_741 : vector<16xi32>
    %mul3A_743 = arith.constant 1024 : i32
    %mul3A_744 = vector.broadcast %mul3A_743 : i32 to vector<16xi32>
    %mul3A_745 = arith.muli %add3A_742, %mul3A_744 : vector<16xi32>
    %and3A_746 = arith.constant 7 : i32
    %and3A_747 = vector.broadcast %and3A_746 : i32 to vector<16xi32>
    %and3A_748 = arith.andi %add3A_729, %and3A_747 : vector<16xi32>
    %mul3A_749 = arith.constant 128 : i32
    %mul3A_750 = vector.broadcast %mul3A_749 : i32 to vector<16xi32>
    %mul3A_751 = arith.muli %and3A_748, %mul3A_750 : vector<16xi32>
    %add3A_752 = arith.addi %mul3A_745, %mul3A_751 : vector<16xi32>
    %and3A_753 = arith.constant 127 : i32
    %and3A_754 = vector.broadcast %and3A_753 : i32 to vector<16xi32>
    %and3A_755 = arith.andi %get3A_732, %and3A_754 : vector<16xi32>
    %add3A_756 = arith.addi %add3A_752, %and3A_755 : vector<16xi32>
    %swap3A_757 = arith.constant 2 : i32
    %swap3A_758 = arith.index_cast %swap3A_757 : i32 to index
    %swap3A_759 = arith.constant 16 : index
    %swap3A_760 = tpu.vector_load %arg6[%swap3A_758, %swap3A_759] {strides = array<i32>} : memref<4x128xi32, #tpu.memory_space<vmem>>, vector<1x16xi32>,
    %swap3A_761 = vector.shape_cast %swap3A_760 : vector<1x16xi32> to vector<16xi32>
    %swap3A_762 = vector.shape_cast %add3A_756 : vector<16xi32> to vector<1x16xi32>
    tpu.vector_store %arg6[%swap3A_758, %swap3A_759], %swap3A_762 {strides = array<i32>} : memref<4x128xi32, #tpu.memory_space<vmem>>, vector<1x16xi32>,
    %add3A_763 = arith.constant 288 : i32
    %add3A_764 = arith.addi %mul3A_4, %add3A_763 : i32
    %iota3A_765 = tpu.iota {dimensions = array<i32: 0>} : vector<16xi32>
    %add3A_766 = vector.broadcast %add3A_764 : i32 to vector<16xi32>
    %add3A_767 = arith.addi %add3A_766, %iota3A_765 : vector<16xi32>
    %get3A_768 = arith.constant 288 : index
    %get3A_769 = tpu.vector_load %arg5[%get3A_768] {strides = array<i32>} : memref<512xi32, #tpu.memory_space<vmem>>, vector<16xi32>,
    %get3A_770 = vector.shape_cast %get3A_769 : vector<16xi32> to vector<16xi32>
    %shift_right_arithmetic3A_771 = arith.constant 3 : i32
    %shift_right_arithmetic3A_772 = vector.broadcast %shift_right_arithmetic3A_771 : i32 to vector<16xi32>
    %shift_right_arithmetic3A_773 = arith.shrsi %add3A_767, %shift_right_arithmetic3A_772 : vector<16xi32>
    %mul3A_774 = arith.constant 32 : i32
    %mul3A_775 = vector.broadcast %mul3A_774 : i32 to vector<16xi32>
    %mul3A_776 = arith.muli %shift_right_arithmetic3A_773, %mul3A_775 : vector<16xi32>
    %shift_right_arithmetic3A_777 = arith.constant 7 : i32
    %shift_right_arithmetic3A_778 = vector.broadcast %shift_right_arithmetic3A_777 : i32 to vector<16xi32>
    %shift_right_arithmetic3A_779 = arith.shrsi %get3A_770, %shift_right_arithmetic3A_778 : vector<16xi32>
    %add3A_780 = arith.addi %mul3A_776, %shift_right_arithmetic3A_779 : vector<16xi32>
    %mul3A_781 = arith.constant 1024 : i32
    %mul3A_782 = vector.broadcast %mul3A_781 : i32 to vector<16xi32>
    %mul3A_783 = arith.muli %add3A_780, %mul3A_782 : vector<16xi32>
    %and3A_784 = arith.constant 7 : i32
    %and3A_785 = vector.broadcast %and3A_784 : i32 to vector<16xi32>
    %and3A_786 = arith.andi %add3A_767, %and3A_785 : vector<16xi32>
    %mul3A_787 = arith.constant 128 : i32
    %mul3A_788 = vector.broadcast %mul3A_787 : i32 to vector<16xi32>
    %mul3A_789 = arith.muli %and3A_786, %mul3A_788 : vector<16xi32>
    %add3A_790 = arith.addi %mul3A_783, %mul3A_789 : vector<16xi32>
    %and3A_791 = arith.constant 127 : i32
    %and3A_792 = vector.broadcast %and3A_791 : i32 to vector<16xi32>
    %and3A_793 = arith.andi %get3A_770, %and3A_792 : vector<16xi32>
    %add3A_794 = arith.addi %add3A_790, %and3A_793 : vector<16xi32>
    %swap3A_795 = arith.constant 2 : i32
    %swap3A_796 = arith.index_cast %swap3A_795 : i32 to index
    %swap3A_797 = arith.constant 32 : index
    %swap3A_798 = tpu.vector_load %arg6[%swap3A_796, %swap3A_797] {strides = array<i32>} : memref<4x128xi32, #tpu.memory_space<vmem>>, vector<1x16xi32>,
    %swap3A_799 = vector.shape_cast %swap3A_798 : vector<1x16xi32> to vector<16xi32>
    %swap3A_800 = vector.shape_cast %add3A_794 : vector<16xi32> to vector<1x16xi32>
    tpu.vector_store %arg6[%swap3A_796, %swap3A_797], %swap3A_800 {strides = array<i32>} : memref<4x128xi32, #tpu.memory_space<vmem>>, vector<1x16xi32>,
    %add3A_801 = arith.constant 304 : i32
    %add3A_802 = arith.addi %mul3A_4, %add3A_801 : i32
    %iota3A_803 = tpu.iota {dimensions = array<i32: 0>} : vector<16xi32>
    %add3A_804 = vector.broadcast %add3A_802 : i32 to vector<16xi32>
    %add3A_805 = arith.addi %add3A_804, %iota3A_803 : vector<16xi32>
    %get3A_806 = arith.constant 304 : index
    %get3A_807 = tpu.vector_load %arg5[%get3A_806] {strides = array<i32>} : memref<512xi32, #tpu.memory_space<vmem>>, vector<16xi32>,
    %get3A_808 = vector.shape_cast %get3A_807 : vector<16xi32> to vector<16xi32>
    %shift_right_arithmetic3A_809 = arith.constant 3 : i32
    %shift_right_arithmetic3A_810 = vector.broadcast %shift_right_arithmetic3A_809 : i32 to vector<16xi32>
    %shift_right_arithmetic3A_811 = arith.shrsi %add3A_805, %shift_right_arithmetic3A_810 : vector<16xi32>
    %mul3A_812 = arith.constant 32 : i32
    %mul3A_813 = vector.broadcast %mul3A_812 : i32 to vector<16xi32>
    %mul3A_814 = arith.muli %shift_right_arithmetic3A_811, %mul3A_813 : vector<16xi32>
    %shift_right_arithmetic3A_815 = arith.constant 7 : i32
    %shift_right_arithmetic3A_816 = vector.broadcast %shift_right_arithmetic3A_815 : i32 to vector<16xi32>
    %shift_right_arithmetic3A_817 = arith.shrsi %get3A_808, %shift_right_arithmetic3A_816 : vector<16xi32>
    %add3A_818 = arith.addi %mul3A_814, %shift_right_arithmetic3A_817 : vector<16xi32>
    %mul3A_819 = arith.constant 1024 : i32
    %mul3A_820 = vector.broadcast %mul3A_819 : i32 to vector<16xi32>
    %mul3A_821 = arith.muli %add3A_818, %mul3A_820 : vector<16xi32>
    %and3A_822 = arith.constant 7 : i32
    %and3A_823 = vector.broadcast %and3A_822 : i32 to vector<16xi32>
    %and3A_824 = arith.andi %add3A_805, %and3A_823 : vector<16xi32>
    %mul3A_825 = arith.constant 128 : i32
    %mul3A_826 = vector.broadcast %mul3A_825 : i32 to vector<16xi32>
    %mul3A_827 = arith.muli %and3A_824, %mul3A_826 : vector<16xi32>
    %add3A_828 = arith.addi %mul3A_821, %mul3A_827 : vector<16xi32>
    %and3A_829 = arith.constant 127 : i32
    %and3A_830 = vector.broadcast %and3A_829 : i32 to vector<16xi32>
    %and3A_831 = arith.andi %get3A_808, %and3A_830 : vector<16xi32>
    %add3A_832 = arith.addi %add3A_828, %and3A_831 : vector<16xi32>
    %swap3A_833 = arith.constant 2 : i32
    %swap3A_834 = arith.index_cast %swap3A_833 : i32 to index
    %swap3A_835 = arith.constant 48 : index
    %swap3A_836 = tpu.vector_load %arg6[%swap3A_834, %swap3A_835] {strides = array<i32>} : memref<4x128xi32, #tpu.memory_space<vmem>>, vector<1x16xi32>,
    %swap3A_837 = vector.shape_cast %swap3A_836 : vector<1x16xi32> to vector<16xi32>
    %swap3A_838 = vector.shape_cast %add3A_832 : vector<16xi32> to vector<1x16xi32>
    tpu.vector_store %arg6[%swap3A_834, %swap3A_835], %swap3A_838 {strides = array<i32>} : memref<4x128xi32, #tpu.memory_space<vmem>>, vector<1x16xi32>,
    %add3A_839 = arith.constant 320 : i32
    %add3A_840 = arith.addi %mul3A_4, %add3A_839 : i32
    %iota3A_841 = tpu.iota {dimensions = array<i32: 0>} : vector<16xi32>
    %add3A_842 = vector.broadcast %add3A_840 : i32 to vector<16xi32>
    %add3A_843 = arith.addi %add3A_842, %iota3A_841 : vector<16xi32>
    %get3A_844 = arith.constant 320 : index
    %get3A_845 = tpu.vector_load %arg5[%get3A_844] {strides = array<i32>} : memref<512xi32, #tpu.memory_space<vmem>>, vector<16xi32>,
    %get3A_846 = vector.shape_cast %get3A_845 : vector<16xi32> to vector<16xi32>
    %shift_right_arithmetic3A_847 = arith.constant 3 : i32
    %shift_right_arithmetic3A_848 = vector.broadcast %shift_right_arithmetic3A_847 : i32 to vector<16xi32>
    %shift_right_arithmetic3A_849 = arith.shrsi %add3A_843, %shift_right_arithmetic3A_848 : vector<16xi32>
    %mul3A_850 = arith.constant 32 : i32
    %mul3A_851 = vector.broadcast %mul3A_850 : i32 to vector<16xi32>
    %mul3A_852 = arith.muli %shift_right_arithmetic3A_849, %mul3A_851 : vector<16xi32>
    %shift_right_arithmetic3A_853 = arith.constant 7 : i32
    %shift_right_arithmetic3A_854 = vector.broadcast %shift_right_arithmetic3A_853 : i32 to vector<16xi32>
    %shift_right_arithmetic3A_855 = arith.shrsi %get3A_846, %shift_right_arithmetic3A_854 : vector<16xi32>
    %add3A_856 = arith.addi %mul3A_852, %shift_right_arithmetic3A_855 : vector<16xi32>
    %mul3A_857 = arith.constant 1024 : i32
    %mul3A_858 = vector.broadcast %mul3A_857 : i32 to vector<16xi32>
    %mul3A_859 = arith.muli %add3A_856, %mul3A_858 : vector<16xi32>
    %and3A_860 = arith.constant 7 : i32
    %and3A_861 = vector.broadcast %and3A_860 : i32 to vector<16xi32>
    %and3A_862 = arith.andi %add3A_843, %and3A_861 : vector<16xi32>
    %mul3A_863 = arith.constant 128 : i32
    %mul3A_864 = vector.broadcast %mul3A_863 : i32 to vector<16xi32>
    %mul3A_865 = arith.muli %and3A_862, %mul3A_864 : vector<16xi32>
    %add3A_866 = arith.addi %mul3A_859, %mul3A_865 : vector<16xi32>
    %and3A_867 = arith.constant 127 : i32
    %and3A_868 = vector.broadcast %and3A_867 : i32 to vector<16xi32>
    %and3A_869 = arith.andi %get3A_846, %and3A_868 : vector<16xi32>
    %add3A_870 = arith.addi %add3A_866, %and3A_869 : vector<16xi32>
    %swap3A_871 = arith.constant 2 : i32
    %swap3A_872 = arith.index_cast %swap3A_871 : i32 to index
    %swap3A_873 = arith.constant 64 : index
    %swap3A_874 = tpu.vector_load %arg6[%swap3A_872, %swap3A_873] {strides = array<i32>} : memref<4x128xi32, #tpu.memory_space<vmem>>, vector<1x16xi32>,
    %swap3A_875 = vector.shape_cast %swap3A_874 : vector<1x16xi32> to vector<16xi32>
    %swap3A_876 = vector.shape_cast %add3A_870 : vector<16xi32> to vector<1x16xi32>
    tpu.vector_store %arg6[%swap3A_872, %swap3A_873], %swap3A_876 {strides = array<i32>} : memref<4x128xi32, #tpu.memory_space<vmem>>, vector<1x16xi32>,
    %add3A_877 = arith.constant 336 : i32
    %add3A_878 = arith.addi %mul3A_4, %add3A_877 : i32
    %iota3A_879 = tpu.iota {dimensions = array<i32: 0>} : vector<16xi32>
    %add3A_880 = vector.broadcast %add3A_878 : i32 to vector<16xi32>
    %add3A_881 = arith.addi %add3A_880, %iota3A_879 : vector<16xi32>
    %get3A_882 = arith.constant 336 : index
    %get3A_883 = tpu.vector_load %arg5[%get3A_882] {strides = array<i32>} : memref<512xi32, #tpu.memory_space<vmem>>, vector<16xi32>,
    %get3A_884 = vector.shape_cast %get3A_883 : vector<16xi32> to vector<16xi32>
    %shift_right_arithmetic3A_885 = arith.constant 3 : i32
    %shift_right_arithmetic3A_886 = vector.broadcast %shift_right_arithmetic3A_885 : i32 to vector<16xi32>
    %shift_right_arithmetic3A_887 = arith.shrsi %add3A_881, %shift_right_arithmetic3A_886 : vector<16xi32>
    %mul3A_888 = arith.constant 32 : i32
    %mul3A_889 = vector.broadcast %mul3A_888 : i32 to vector<16xi32>
    %mul3A_890 = arith.muli %shift_right_arithmetic3A_887, %mul3A_889 : vector<16xi32>
    %shift_right_arithmetic3A_891 = arith.constant 7 : i32
    %shift_right_arithmetic3A_892 = vector.broadcast %shift_right_arithmetic3A_891 : i32 to vector<16xi32>
    %shift_right_arithmetic3A_893 = arith.shrsi %get3A_884, %shift_right_arithmetic3A_892 : vector<16xi32>
    %add3A_894 = arith.addi %mul3A_890, %shift_right_arithmetic3A_893 : vector<16xi32>
    %mul3A_895 = arith.constant 1024 : i32
    %mul3A_896 = vector.broadcast %mul3A_895 : i32 to vector<16xi32>
    %mul3A_897 = arith.muli %add3A_894, %mul3A_896 : vector<16xi32>
    %and3A_898 = arith.constant 7 : i32
    %and3A_899 = vector.broadcast %and3A_898 : i32 to vector<16xi32>
    %and3A_900 = arith.andi %add3A_881, %and3A_899 : vector<16xi32>
    %mul3A_901 = arith.constant 128 : i32
    %mul3A_902 = vector.broadcast %mul3A_901 : i32 to vector<16xi32>
    %mul3A_903 = arith.muli %and3A_900, %mul3A_902 : vector<16xi32>
    %add3A_904 = arith.addi %mul3A_897, %mul3A_903 : vector<16xi32>
    %and3A_905 = arith.constant 127 : i32
    %and3A_906 = vector.broadcast %and3A_905 : i32 to vector<16xi32>
    %and3A_907 = arith.andi %get3A_884, %and3A_906 : vector<16xi32>
    %add3A_908 = arith.addi %add3A_904, %and3A_907 : vector<16xi32>
    %swap3A_909 = arith.constant 2 : i32
    %swap3A_910 = arith.index_cast %swap3A_909 : i32 to index
    %swap3A_911 = arith.constant 80 : index
    %swap3A_912 = tpu.vector_load %arg6[%swap3A_910, %swap3A_911] {strides = array<i32>} : memref<4x128xi32, #tpu.memory_space<vmem>>, vector<1x16xi32>,
    %swap3A_913 = vector.shape_cast %swap3A_912 : vector<1x16xi32> to vector<16xi32>
    %swap3A_914 = vector.shape_cast %add3A_908 : vector<16xi32> to vector<1x16xi32>
    tpu.vector_store %arg6[%swap3A_910, %swap3A_911], %swap3A_914 {strides = array<i32>} : memref<4x128xi32, #tpu.memory_space<vmem>>, vector<1x16xi32>,
    %add3A_915 = arith.constant 352 : i32
    %add3A_916 = arith.addi %mul3A_4, %add3A_915 : i32
    %iota3A_917 = tpu.iota {dimensions = array<i32: 0>} : vector<16xi32>
    %add3A_918 = vector.broadcast %add3A_916 : i32 to vector<16xi32>
    %add3A_919 = arith.addi %add3A_918, %iota3A_917 : vector<16xi32>
    %get3A_920 = arith.constant 352 : index
    %get3A_921 = tpu.vector_load %arg5[%get3A_920] {strides = array<i32>} : memref<512xi32, #tpu.memory_space<vmem>>, vector<16xi32>,
    %get3A_922 = vector.shape_cast %get3A_921 : vector<16xi32> to vector<16xi32>
    %shift_right_arithmetic3A_923 = arith.constant 3 : i32
    %shift_right_arithmetic3A_924 = vector.broadcast %shift_right_arithmetic3A_923 : i32 to vector<16xi32>
    %shift_right_arithmetic3A_925 = arith.shrsi %add3A_919, %shift_right_arithmetic3A_924 : vector<16xi32>
    %mul3A_926 = arith.constant 32 : i32
    %mul3A_927 = vector.broadcast %mul3A_926 : i32 to vector<16xi32>
    %mul3A_928 = arith.muli %shift_right_arithmetic3A_925, %mul3A_927 : vector<16xi32>
    %shift_right_arithmetic3A_929 = arith.constant 7 : i32
    %shift_right_arithmetic3A_930 = vector.broadcast %shift_right_arithmetic3A_929 : i32 to vector<16xi32>
    %shift_right_arithmetic3A_931 = arith.shrsi %get3A_922, %shift_right_arithmetic3A_930 : vector<16xi32>
    %add3A_932 = arith.addi %mul3A_928, %shift_right_arithmetic3A_931 : vector<16xi32>
    %mul3A_933 = arith.constant 1024 : i32
    %mul3A_934 = vector.broadcast %mul3A_933 : i32 to vector<16xi32>
    %mul3A_935 = arith.muli %add3A_932, %mul3A_934 : vector<16xi32>
    %and3A_936 = arith.constant 7 : i32
    %and3A_937 = vector.broadcast %and3A_936 : i32 to vector<16xi32>
    %and3A_938 = arith.andi %add3A_919, %and3A_937 : vector<16xi32>
    %mul3A_939 = arith.constant 128 : i32
    %mul3A_940 = vector.broadcast %mul3A_939 : i32 to vector<16xi32>
    %mul3A_941 = arith.muli %and3A_938, %mul3A_940 : vector<16xi32>
    %add3A_942 = arith.addi %mul3A_935, %mul3A_941 : vector<16xi32>
    %and3A_943 = arith.constant 127 : i32
    %and3A_944 = vector.broadcast %and3A_943 : i32 to vector<16xi32>
    %and3A_945 = arith.andi %get3A_922, %and3A_944 : vector<16xi32>
    %add3A_946 = arith.addi %add3A_942, %and3A_945 : vector<16xi32>
    %swap3A_947 = arith.constant 2 : i32
    %swap3A_948 = arith.index_cast %swap3A_947 : i32 to index
    %swap3A_949 = arith.constant 96 : index
    %swap3A_950 = tpu.vector_load %arg6[%swap3A_948, %swap3A_949] {strides = array<i32>} : memref<4x128xi32, #tpu.memory_space<vmem>>, vector<1x16xi32>,
    %swap3A_951 = vector.shape_cast %swap3A_950 : vector<1x16xi32> to vector<16xi32>
    %swap3A_952 = vector.shape_cast %add3A_946 : vector<16xi32> to vector<1x16xi32>
    tpu.vector_store %arg6[%swap3A_948, %swap3A_949], %swap3A_952 {strides = array<i32>} : memref<4x128xi32, #tpu.memory_space<vmem>>, vector<1x16xi32>,
    %add3A_953 = arith.constant 368 : i32
    %add3A_954 = arith.addi %mul3A_4, %add3A_953 : i32
    %iota3A_955 = tpu.iota {dimensions = array<i32: 0>} : vector<16xi32>
    %add3A_956 = vector.broadcast %add3A_954 : i32 to vector<16xi32>
    %add3A_957 = arith.addi %add3A_956, %iota3A_955 : vector<16xi32>
    %get3A_958 = arith.constant 368 : index
    %get3A_959 = tpu.vector_load %arg5[%get3A_958] {strides = array<i32>} : memref<512xi32, #tpu.memory_space<vmem>>, vector<16xi32>,
    %get3A_960 = vector.shape_cast %get3A_959 : vector<16xi32> to vector<16xi32>
    %shift_right_arithmetic3A_961 = arith.constant 3 : i32
    %shift_right_arithmetic3A_962 = vector.broadcast %shift_right_arithmetic3A_961 : i32 to vector<16xi32>
    %shift_right_arithmetic3A_963 = arith.shrsi %add3A_957, %shift_right_arithmetic3A_962 : vector<16xi32>
    %mul3A_964 = arith.constant 32 : i32
    %mul3A_965 = vector.broadcast %mul3A_964 : i32 to vector<16xi32>
    %mul3A_966 = arith.muli %shift_right_arithmetic3A_963, %mul3A_965 : vector<16xi32>
    %shift_right_arithmetic3A_967 = arith.constant 7 : i32
    %shift_right_arithmetic3A_968 = vector.broadcast %shift_right_arithmetic3A_967 : i32 to vector<16xi32>
    %shift_right_arithmetic3A_969 = arith.shrsi %get3A_960, %shift_right_arithmetic3A_968 : vector<16xi32>
    %add3A_970 = arith.addi %mul3A_966, %shift_right_arithmetic3A_969 : vector<16xi32>
    %mul3A_971 = arith.constant 1024 : i32
    %mul3A_972 = vector.broadcast %mul3A_971 : i32 to vector<16xi32>
    %mul3A_973 = arith.muli %add3A_970, %mul3A_972 : vector<16xi32>
    %and3A_974 = arith.constant 7 : i32
    %and3A_975 = vector.broadcast %and3A_974 : i32 to vector<16xi32>
    %and3A_976 = arith.andi %add3A_957, %and3A_975 : vector<16xi32>
    %mul3A_977 = arith.constant 128 : i32
    %mul3A_978 = vector.broadcast %mul3A_977 : i32 to vector<16xi32>
    %mul3A_979 = arith.muli %and3A_976, %mul3A_978 : vector<16xi32>
    %add3A_980 = arith.addi %mul3A_973, %mul3A_979 : vector<16xi32>
    %and3A_981 = arith.constant 127 : i32
    %and3A_982 = vector.broadcast %and3A_981 : i32 to vector<16xi32>
    %and3A_983 = arith.andi %get3A_960, %and3A_982 : vector<16xi32>
    %add3A_984 = arith.addi %add3A_980, %and3A_983 : vector<16xi32>
    %swap3A_985 = arith.constant 2 : i32
    %swap3A_986 = arith.index_cast %swap3A_985 : i32 to index
    %swap3A_987 = arith.constant 112 : index
    %swap3A_988 = tpu.vector_load %arg6[%swap3A_986, %swap3A_987] {strides = array<i32>} : memref<4x128xi32, #tpu.memory_space<vmem>>, vector<1x16xi32>,
    %swap3A_989 = vector.shape_cast %swap3A_988 : vector<1x16xi32> to vector<16xi32>
    %swap3A_990 = vector.shape_cast %add3A_984 : vector<16xi32> to vector<1x16xi32>
    tpu.vector_store %arg6[%swap3A_986, %swap3A_987], %swap3A_990 {strides = array<i32>} : memref<4x128xi32, #tpu.memory_space<vmem>>, vector<1x16xi32>,
    %dma_start3A_991 = arith.constant 2 : i32
    %dma_start3A_992 = arith.constant 256 : i32
    %dma_start3A_993 = tpu.memref_slice %arg7[%dma_start3A_992] : memref<512xf32, #tpu.memory_space<vmem>> -> memref<128xf32, #tpu.memory_space<vmem>>
    %dma_start3A_994 = arith.constant 0 : i32
    %dma_start3A_995 = tpu.memref_slice %arg6[%dma_start3A_991, %dma_start3A_994] : memref<4x128xi32, #tpu.memory_space<vmem>> -> memref<1x128xi32, #tpu.memory_space<vmem>>
    %dma_start3A_996 = tpu.memref_squeeze %dma_start3A_995 : memref<1x128xi32, #tpu.memory_space<vmem>> -> memref<128xi32, #tpu.memory_space<vmem>>
    %dma_start3A_997 = arith.constant 0 : i32
    %dma_start3A_998 = tpu.memref_slice %arg2[%dma_start3A_997] : memref<33554432xf32, #tpu.memory_space<hbm>> -> memref<33554432xf32, #tpu.memory_space<hbm>>
    tpu.enqueue_indirect_dma source(%dma_start3A_998 : memref<33554432xf32, #tpu.memory_space<hbm>>) target(%dma_start3A_993 : memref<128xf32, #tpu.memory_space<vmem>>) offsets(%dma_start3A_996 : memref<128xi32, #tpu.memory_space<vmem>>) semaphore(%arg8 : memref<!tpu.dma_semaphore, #tpu.memory_space<semaphore_mem>>)
    %dma_wait3A_999 = arith.constant 384 : i32
    %dma_wait3A_1000 = tpu.memref_slice %arg5[%dma_wait3A_999] : memref<512xi32, #tpu.memory_space<vmem>> -> memref<128xi32, #tpu.memory_space<vmem>>
    %dma_wait3A_1001 = tpu.memref_slice %arg3[%shift_right_arithmetic3A_0, %add3A_34] : memref<4x2048xi32, #tpu.memory_space<hbm>> -> memref<1x128xi32, #tpu.memory_space<hbm>>
    %dma_wait3A_1002 = tpu.memref_squeeze %dma_wait3A_1001 : memref<1x128xi32, #tpu.memory_space<hbm>> -> memref<128xi32, #tpu.memory_space<hbm>>
    %dma_wait3A_1003 = arith.constant 384 : i32
    %dma_wait3A_1004 = tpu.memref_slice %arg5[%dma_wait3A_1003] : memref<512xi32, #tpu.memory_space<vmem>> -> memref<128xi32, #tpu.memory_space<vmem>>
    %dma_wait3A_1005 = tpu.memref_slice %arg3[%shift_right_arithmetic3A_0, %add3A_34] : memref<4x2048xi32, #tpu.memory_space<hbm>> -> memref<1x128xi32, #tpu.memory_space<hbm>>
    %dma_wait3A_1006 = tpu.memref_squeeze %dma_wait3A_1005 : memref<1x128xi32, #tpu.memory_space<hbm>> -> memref<128xi32, #tpu.memory_space<hbm>>
    tpu.wait_dma2 semaphore(%arg9 : memref<!tpu.dma_semaphore, #tpu.memory_space<semaphore_mem>>) src(%dma_wait3A_1006 : memref<128xi32, #tpu.memory_space<hbm>>) dst(%dma_wait3A_1004 : memref<128xi32, #tpu.memory_space<vmem>>)
    %add3A_1007 = arith.constant 384 : i32
    %add3A_1008 = arith.addi %mul3A_4, %add3A_1007 : i32
    %iota3A_1009 = tpu.iota {dimensions = array<i32: 0>} : vector<16xi32>
    %add3A_1010 = vector.broadcast %add3A_1008 : i32 to vector<16xi32>
    %add3A_1011 = arith.addi %add3A_1010, %iota3A_1009 : vector<16xi32>
    %get3A_1012 = arith.constant 384 : index
    %get3A_1013 = tpu.vector_load %arg5[%get3A_1012] {strides = array<i32>} : memref<512xi32, #tpu.memory_space<vmem>>, vector<16xi32>,
    %get3A_1014 = vector.shape_cast %get3A_1013 : vector<16xi32> to vector<16xi32>
    %shift_right_arithmetic3A_1015 = arith.constant 3 : i32
    %shift_right_arithmetic3A_1016 = vector.broadcast %shift_right_arithmetic3A_1015 : i32 to vector<16xi32>
    %shift_right_arithmetic3A_1017 = arith.shrsi %add3A_1011, %shift_right_arithmetic3A_1016 : vector<16xi32>
    %mul3A_1018 = arith.constant 32 : i32
    %mul3A_1019 = vector.broadcast %mul3A_1018 : i32 to vector<16xi32>
    %mul3A_1020 = arith.muli %shift_right_arithmetic3A_1017, %mul3A_1019 : vector<16xi32>
    %shift_right_arithmetic3A_1021 = arith.constant 7 : i32
    %shift_right_arithmetic3A_1022 = vector.broadcast %shift_right_arithmetic3A_1021 : i32 to vector<16xi32>
    %shift_right_arithmetic3A_1023 = arith.shrsi %get3A_1014, %shift_right_arithmetic3A_1022 : vector<16xi32>
    %add3A_1024 = arith.addi %mul3A_1020, %shift_right_arithmetic3A_1023 : vector<16xi32>
    %mul3A_1025 = arith.constant 1024 : i32
    %mul3A_1026 = vector.broadcast %mul3A_1025 : i32 to vector<16xi32>
    %mul3A_1027 = arith.muli %add3A_1024, %mul3A_1026 : vector<16xi32>
    %and3A_1028 = arith.constant 7 : i32
    %and3A_1029 = vector.broadcast %and3A_1028 : i32 to vector<16xi32>
    %and3A_1030 = arith.andi %add3A_1011, %and3A_1029 : vector<16xi32>
    %mul3A_1031 = arith.constant 128 : i32
    %mul3A_1032 = vector.broadcast %mul3A_1031 : i32 to vector<16xi32>
    %mul3A_1033 = arith.muli %and3A_1030, %mul3A_1032 : vector<16xi32>
    %add3A_1034 = arith.addi %mul3A_1027, %mul3A_1033 : vector<16xi32>
    %and3A_1035 = arith.constant 127 : i32
    %and3A_1036 = vector.broadcast %and3A_1035 : i32 to vector<16xi32>
    %and3A_1037 = arith.andi %get3A_1014, %and3A_1036 : vector<16xi32>
    %add3A_1038 = arith.addi %add3A_1034, %and3A_1037 : vector<16xi32>
    %swap3A_1039 = arith.constant 3 : i32
    %swap3A_1040 = arith.index_cast %swap3A_1039 : i32 to index
    %swap3A_1041 = arith.constant 0 : index
    %swap3A_1042 = tpu.vector_load %arg6[%swap3A_1040, %swap3A_1041] {strides = array<i32>} : memref<4x128xi32, #tpu.memory_space<vmem>>, vector<1x16xi32>,
    %swap3A_1043 = vector.shape_cast %swap3A_1042 : vector<1x16xi32> to vector<16xi32>
    %swap3A_1044 = vector.shape_cast %add3A_1038 : vector<16xi32> to vector<1x16xi32>
    tpu.vector_store %arg6[%swap3A_1040, %swap3A_1041], %swap3A_1044 {strides = array<i32>} : memref<4x128xi32, #tpu.memory_space<vmem>>, vector<1x16xi32>,
    %add3A_1045 = arith.constant 400 : i32
    %add3A_1046 = arith.addi %mul3A_4, %add3A_1045 : i32
    %iota3A_1047 = tpu.iota {dimensions = array<i32: 0>} : vector<16xi32>
    %add3A_1048 = vector.broadcast %add3A_1046 : i32 to vector<16xi32>
    %add3A_1049 = arith.addi %add3A_1048, %iota3A_1047 : vector<16xi32>
    %get3A_1050 = arith.constant 400 : index
    %get3A_1051 = tpu.vector_load %arg5[%get3A_1050] {strides = array<i32>} : memref<512xi32, #tpu.memory_space<vmem>>, vector<16xi32>,
    %get3A_1052 = vector.shape_cast %get3A_1051 : vector<16xi32> to vector<16xi32>
    %shift_right_arithmetic3A_1053 = arith.constant 3 : i32
    %shift_right_arithmetic3A_1054 = vector.broadcast %shift_right_arithmetic3A_1053 : i32 to vector<16xi32>
    %shift_right_arithmetic3A_1055 = arith.shrsi %add3A_1049, %shift_right_arithmetic3A_1054 : vector<16xi32>
    %mul3A_1056 = arith.constant 32 : i32
    %mul3A_1057 = vector.broadcast %mul3A_1056 : i32 to vector<16xi32>
    %mul3A_1058 = arith.muli %shift_right_arithmetic3A_1055, %mul3A_1057 : vector<16xi32>
    %shift_right_arithmetic3A_1059 = arith.constant 7 : i32
    %shift_right_arithmetic3A_1060 = vector.broadcast %shift_right_arithmetic3A_1059 : i32 to vector<16xi32>
    %shift_right_arithmetic3A_1061 = arith.shrsi %get3A_1052, %shift_right_arithmetic3A_1060 : vector<16xi32>
    %add3A_1062 = arith.addi %mul3A_1058, %shift_right_arithmetic3A_1061 : vector<16xi32>
    %mul3A_1063 = arith.constant 1024 : i32
    %mul3A_1064 = vector.broadcast %mul3A_1063 : i32 to vector<16xi32>
    %mul3A_1065 = arith.muli %add3A_1062, %mul3A_1064 : vector<16xi32>
    %and3A_1066 = arith.constant 7 : i32
    %and3A_1067 = vector.broadcast %and3A_1066 : i32 to vector<16xi32>
    %and3A_1068 = arith.andi %add3A_1049, %and3A_1067 : vector<16xi32>
    %mul3A_1069 = arith.constant 128 : i32
    %mul3A_1070 = vector.broadcast %mul3A_1069 : i32 to vector<16xi32>
    %mul3A_1071 = arith.muli %and3A_1068, %mul3A_1070 : vector<16xi32>
    %add3A_1072 = arith.addi %mul3A_1065, %mul3A_1071 : vector<16xi32>
    %and3A_1073 = arith.constant 127 : i32
    %and3A_1074 = vector.broadcast %and3A_1073 : i32 to vector<16xi32>
    %and3A_1075 = arith.andi %get3A_1052, %and3A_1074 : vector<16xi32>
    %add3A_1076 = arith.addi %add3A_1072, %and3A_1075 : vector<16xi32>
    %swap3A_1077 = arith.constant 3 : i32
    %swap3A_1078 = arith.index_cast %swap3A_1077 : i32 to index
    %swap3A_1079 = arith.constant 16 : index
    %swap3A_1080 = tpu.vector_load %arg6[%swap3A_1078, %swap3A_1079] {strides = array<i32>} : memref<4x128xi32, #tpu.memory_space<vmem>>, vector<1x16xi32>,
    %swap3A_1081 = vector.shape_cast %swap3A_1080 : vector<1x16xi32> to vector<16xi32>
    %swap3A_1082 = vector.shape_cast %add3A_1076 : vector<16xi32> to vector<1x16xi32>
    tpu.vector_store %arg6[%swap3A_1078, %swap3A_1079], %swap3A_1082 {strides = array<i32>} : memref<4x128xi32, #tpu.memory_space<vmem>>, vector<1x16xi32>,
    %add3A_1083 = arith.constant 416 : i32
    %add3A_1084 = arith.addi %mul3A_4, %add3A_1083 : i32
    %iota3A_1085 = tpu.iota {dimensions = array<i32: 0>} : vector<16xi32>
    %add3A_1086 = vector.broadcast %add3A_1084 : i32 to vector<16xi32>
    %add3A_1087 = arith.addi %add3A_1086, %iota3A_1085 : vector<16xi32>
    %get3A_1088 = arith.constant 416 : index
    %get3A_1089 = tpu.vector_load %arg5[%get3A_1088] {strides = array<i32>} : memref<512xi32, #tpu.memory_space<vmem>>, vector<16xi32>,
    %get3A_1090 = vector.shape_cast %get3A_1089 : vector<16xi32> to vector<16xi32>
    %shift_right_arithmetic3A_1091 = arith.constant 3 : i32
    %shift_right_arithmetic3A_1092 = vector.broadcast %shift_right_arithmetic3A_1091 : i32 to vector<16xi32>
    %shift_right_arithmetic3A_1093 = arith.shrsi %add3A_1087, %shift_right_arithmetic3A_1092 : vector<16xi32>
    %mul3A_1094 = arith.constant 32 : i32
    %mul3A_1095 = vector.broadcast %mul3A_1094 : i32 to vector<16xi32>
    %mul3A_1096 = arith.muli %shift_right_arithmetic3A_1093, %mul3A_1095 : vector<16xi32>
    %shift_right_arithmetic3A_1097 = arith.constant 7 : i32
    %shift_right_arithmetic3A_1098 = vector.broadcast %shift_right_arithmetic3A_1097 : i32 to vector<16xi32>
    %shift_right_arithmetic3A_1099 = arith.shrsi %get3A_1090, %shift_right_arithmetic3A_1098 : vector<16xi32>
    %add3A_1100 = arith.addi %mul3A_1096, %shift_right_arithmetic3A_1099 : vector<16xi32>
    %mul3A_1101 = arith.constant 1024 : i32
    %mul3A_1102 = vector.broadcast %mul3A_1101 : i32 to vector<16xi32>
    %mul3A_1103 = arith.muli %add3A_1100, %mul3A_1102 : vector<16xi32>
    %and3A_1104 = arith.constant 7 : i32
    %and3A_1105 = vector.broadcast %and3A_1104 : i32 to vector<16xi32>
    %and3A_1106 = arith.andi %add3A_1087, %and3A_1105 : vector<16xi32>
    %mul3A_1107 = arith.constant 128 : i32
    %mul3A_1108 = vector.broadcast %mul3A_1107 : i32 to vector<16xi32>
    %mul3A_1109 = arith.muli %and3A_1106, %mul3A_1108 : vector<16xi32>
    %add3A_1110 = arith.addi %mul3A_1103, %mul3A_1109 : vector<16xi32>
    %and3A_1111 = arith.constant 127 : i32
    %and3A_1112 = vector.broadcast %and3A_1111 : i32 to vector<16xi32>
    %and3A_1113 = arith.andi %get3A_1090, %and3A_1112 : vector<16xi32>
    %add3A_1114 = arith.addi %add3A_1110, %and3A_1113 : vector<16xi32>
    %swap3A_1115 = arith.constant 3 : i32
    %swap3A_1116 = arith.index_cast %swap3A_1115 : i32 to index
    %swap3A_1117 = arith.constant 32 : index
    %swap3A_1118 = tpu.vector_load %arg6[%swap3A_1116, %swap3A_1117] {strides = array<i32>} : memref<4x128xi32, #tpu.memory_space<vmem>>, vector<1x16xi32>,
    %swap3A_1119 = vector.shape_cast %swap3A_1118 : vector<1x16xi32> to vector<16xi32>
    %swap3A_1120 = vector.shape_cast %add3A_1114 : vector<16xi32> to vector<1x16xi32>
    tpu.vector_store %arg6[%swap3A_1116, %swap3A_1117], %swap3A_1120 {strides = array<i32>} : memref<4x128xi32, #tpu.memory_space<vmem>>, vector<1x16xi32>,
    %add3A_1121 = arith.constant 432 : i32
    %add3A_1122 = arith.addi %mul3A_4, %add3A_1121 : i32
    %iota3A_1123 = tpu.iota {dimensions = array<i32: 0>} : vector<16xi32>
    %add3A_1124 = vector.broadcast %add3A_1122 : i32 to vector<16xi32>
    %add3A_1125 = arith.addi %add3A_1124, %iota3A_1123 : vector<16xi32>
    %get3A_1126 = arith.constant 432 : index
    %get3A_1127 = tpu.vector_load %arg5[%get3A_1126] {strides = array<i32>} : memref<512xi32, #tpu.memory_space<vmem>>, vector<16xi32>,
    %get3A_1128 = vector.shape_cast %get3A_1127 : vector<16xi32> to vector<16xi32>
    %shift_right_arithmetic3A_1129 = arith.constant 3 : i32
    %shift_right_arithmetic3A_1130 = vector.broadcast %shift_right_arithmetic3A_1129 : i32 to vector<16xi32>
    %shift_right_arithmetic3A_1131 = arith.shrsi %add3A_1125, %shift_right_arithmetic3A_1130 : vector<16xi32>
    %mul3A_1132 = arith.constant 32 : i32
    %mul3A_1133 = vector.broadcast %mul3A_1132 : i32 to vector<16xi32>
    %mul3A_1134 = arith.muli %shift_right_arithmetic3A_1131, %mul3A_1133 : vector<16xi32>
    %shift_right_arithmetic3A_1135 = arith.constant 7 : i32
    %shift_right_arithmetic3A_1136 = vector.broadcast %shift_right_arithmetic3A_1135 : i32 to vector<16xi32>
    %shift_right_arithmetic3A_1137 = arith.shrsi %get3A_1128, %shift_right_arithmetic3A_1136 : vector<16xi32>
    %add3A_1138 = arith.addi %mul3A_1134, %shift_right_arithmetic3A_1137 : vector<16xi32>
    %mul3A_1139 = arith.constant 1024 : i32
    %mul3A_1140 = vector.broadcast %mul3A_1139 : i32 to vector<16xi32>
    %mul3A_1141 = arith.muli %add3A_1138, %mul3A_1140 : vector<16xi32>
    %and3A_1142 = arith.constant 7 : i32
    %and3A_1143 = vector.broadcast %and3A_1142 : i32 to vector<16xi32>
    %and3A_1144 = arith.andi %add3A_1125, %and3A_1143 : vector<16xi32>
    %mul3A_1145 = arith.constant 128 : i32
    %mul3A_1146 = vector.broadcast %mul3A_1145 : i32 to vector<16xi32>
    %mul3A_1147 = arith.muli %and3A_1144, %mul3A_1146 : vector<16xi32>
    %add3A_1148 = arith.addi %mul3A_1141, %mul3A_1147 : vector<16xi32>
    %and3A_1149 = arith.constant 127 : i32
    %and3A_1150 = vector.broadcast %and3A_1149 : i32 to vector<16xi32>
    %and3A_1151 = arith.andi %get3A_1128, %and3A_1150 : vector<16xi32>
    %add3A_1152 = arith.addi %add3A_1148, %and3A_1151 : vector<16xi32>
    %swap3A_1153 = arith.constant 3 : i32
    %swap3A_1154 = arith.index_cast %swap3A_1153 : i32 to index
    %swap3A_1155 = arith.constant 48 : index
    %swap3A_1156 = tpu.vector_load %arg6[%swap3A_1154, %swap3A_1155] {strides = array<i32>} : memref<4x128xi32, #tpu.memory_space<vmem>>, vector<1x16xi32>,
    %swap3A_1157 = vector.shape_cast %swap3A_1156 : vector<1x16xi32> to vector<16xi32>
    %swap3A_1158 = vector.shape_cast %add3A_1152 : vector<16xi32> to vector<1x16xi32>
    tpu.vector_store %arg6[%swap3A_1154, %swap3A_1155], %swap3A_1158 {strides = array<i32>} : memref<4x128xi32, #tpu.memory_space<vmem>>, vector<1x16xi32>,
    %add3A_1159 = arith.constant 448 : i32
    %add3A_1160 = arith.addi %mul3A_4, %add3A_1159 : i32
    %iota3A_1161 = tpu.iota {dimensions = array<i32: 0>} : vector<16xi32>
    %add3A_1162 = vector.broadcast %add3A_1160 : i32 to vector<16xi32>
    %add3A_1163 = arith.addi %add3A_1162, %iota3A_1161 : vector<16xi32>
    %get3A_1164 = arith.constant 448 : index
    %get3A_1165 = tpu.vector_load %arg5[%get3A_1164] {strides = array<i32>} : memref<512xi32, #tpu.memory_space<vmem>>, vector<16xi32>,
    %get3A_1166 = vector.shape_cast %get3A_1165 : vector<16xi32> to vector<16xi32>
    %shift_right_arithmetic3A_1167 = arith.constant 3 : i32
    %shift_right_arithmetic3A_1168 = vector.broadcast %shift_right_arithmetic3A_1167 : i32 to vector<16xi32>
    %shift_right_arithmetic3A_1169 = arith.shrsi %add3A_1163, %shift_right_arithmetic3A_1168 : vector<16xi32>
    %mul3A_1170 = arith.constant 32 : i32
    %mul3A_1171 = vector.broadcast %mul3A_1170 : i32 to vector<16xi32>
    %mul3A_1172 = arith.muli %shift_right_arithmetic3A_1169, %mul3A_1171 : vector<16xi32>
    %shift_right_arithmetic3A_1173 = arith.constant 7 : i32
    %shift_right_arithmetic3A_1174 = vector.broadcast %shift_right_arithmetic3A_1173 : i32 to vector<16xi32>
    %shift_right_arithmetic3A_1175 = arith.shrsi %get3A_1166, %shift_right_arithmetic3A_1174 : vector<16xi32>
    %add3A_1176 = arith.addi %mul3A_1172, %shift_right_arithmetic3A_1175 : vector<16xi32>
    %mul3A_1177 = arith.constant 1024 : i32
    %mul3A_1178 = vector.broadcast %mul3A_1177 : i32 to vector<16xi32>
    %mul3A_1179 = arith.muli %add3A_1176, %mul3A_1178 : vector<16xi32>
    %and3A_1180 = arith.constant 7 : i32
    %and3A_1181 = vector.broadcast %and3A_1180 : i32 to vector<16xi32>
    %and3A_1182 = arith.andi %add3A_1163, %and3A_1181 : vector<16xi32>
    %mul3A_1183 = arith.constant 128 : i32
    %mul3A_1184 = vector.broadcast %mul3A_1183 : i32 to vector<16xi32>
    %mul3A_1185 = arith.muli %and3A_1182, %mul3A_1184 : vector<16xi32>
    %add3A_1186 = arith.addi %mul3A_1179, %mul3A_1185 : vector<16xi32>
    %and3A_1187 = arith.constant 127 : i32
    %and3A_1188 = vector.broadcast %and3A_1187 : i32 to vector<16xi32>
    %and3A_1189 = arith.andi %get3A_1166, %and3A_1188 : vector<16xi32>
    %add3A_1190 = arith.addi %add3A_1186, %and3A_1189 : vector<16xi32>
    %swap3A_1191 = arith.constant 3 : i32
    %swap3A_1192 = arith.index_cast %swap3A_1191 : i32 to index
    %swap3A_1193 = arith.constant 64 : index
    %swap3A_1194 = tpu.vector_load %arg6[%swap3A_1192, %swap3A_1193] {strides = array<i32>} : memref<4x128xi32, #tpu.memory_space<vmem>>, vector<1x16xi32>,
    %swap3A_1195 = vector.shape_cast %swap3A_1194 : vector<1x16xi32> to vector<16xi32>
    %swap3A_1196 = vector.shape_cast %add3A_1190 : vector<16xi32> to vector<1x16xi32>
    tpu.vector_store %arg6[%swap3A_1192, %swap3A_1193], %swap3A_1196 {strides = array<i32>} : memref<4x128xi32, #tpu.memory_space<vmem>>, vector<1x16xi32>,
    %add3A_1197 = arith.constant 464 : i32
    %add3A_1198 = arith.addi %mul3A_4, %add3A_1197 : i32
    %iota3A_1199 = tpu.iota {dimensions = array<i32: 0>} : vector<16xi32>
    %add3A_1200 = vector.broadcast %add3A_1198 : i32 to vector<16xi32>
    %add3A_1201 = arith.addi %add3A_1200, %iota3A_1199 : vector<16xi32>
    %get3A_1202 = arith.constant 464 : index
    %get3A_1203 = tpu.vector_load %arg5[%get3A_1202] {strides = array<i32>} : memref<512xi32, #tpu.memory_space<vmem>>, vector<16xi32>,
    %get3A_1204 = vector.shape_cast %get3A_1203 : vector<16xi32> to vector<16xi32>
    %shift_right_arithmetic3A_1205 = arith.constant 3 : i32
    %shift_right_arithmetic3A_1206 = vector.broadcast %shift_right_arithmetic3A_1205 : i32 to vector<16xi32>
    %shift_right_arithmetic3A_1207 = arith.shrsi %add3A_1201, %shift_right_arithmetic3A_1206 : vector<16xi32>
    %mul3A_1208 = arith.constant 32 : i32
    %mul3A_1209 = vector.broadcast %mul3A_1208 : i32 to vector<16xi32>
    %mul3A_1210 = arith.muli %shift_right_arithmetic3A_1207, %mul3A_1209 : vector<16xi32>
    %shift_right_arithmetic3A_1211 = arith.constant 7 : i32
    %shift_right_arithmetic3A_1212 = vector.broadcast %shift_right_arithmetic3A_1211 : i32 to vector<16xi32>
    %shift_right_arithmetic3A_1213 = arith.shrsi %get3A_1204, %shift_right_arithmetic3A_1212 : vector<16xi32>
    %add3A_1214 = arith.addi %mul3A_1210, %shift_right_arithmetic3A_1213 : vector<16xi32>
    %mul3A_1215 = arith.constant 1024 : i32
    %mul3A_1216 = vector.broadcast %mul3A_1215 : i32 to vector<16xi32>
    %mul3A_1217 = arith.muli %add3A_1214, %mul3A_1216 : vector<16xi32>
    %and3A_1218 = arith.constant 7 : i32
    %and3A_1219 = vector.broadcast %and3A_1218 : i32 to vector<16xi32>
    %and3A_1220 = arith.andi %add3A_1201, %and3A_1219 : vector<16xi32>
    %mul3A_1221 = arith.constant 128 : i32
    %mul3A_1222 = vector.broadcast %mul3A_1221 : i32 to vector<16xi32>
    %mul3A_1223 = arith.muli %and3A_1220, %mul3A_1222 : vector<16xi32>
    %add3A_1224 = arith.addi %mul3A_1217, %mul3A_1223 : vector<16xi32>
    %and3A_1225 = arith.constant 127 : i32
    %and3A_1226 = vector.broadcast %and3A_1225 : i32 to vector<16xi32>
    %and3A_1227 = arith.andi %get3A_1204, %and3A_1226 : vector<16xi32>
    %add3A_1228 = arith.addi %add3A_1224, %and3A_1227 : vector<16xi32>
    %swap3A_1229 = arith.constant 3 : i32
    %swap3A_1230 = arith.index_cast %swap3A_1229 : i32 to index
    %swap3A_1231 = arith.constant 80 : index
    %swap3A_1232 = tpu.vector_load %arg6[%swap3A_1230, %swap3A_1231] {strides = array<i32>} : memref<4x128xi32, #tpu.memory_space<vmem>>, vector<1x16xi32>,
    %swap3A_1233 = vector.shape_cast %swap3A_1232 : vector<1x16xi32> to vector<16xi32>
    %swap3A_1234 = vector.shape_cast %add3A_1228 : vector<16xi32> to vector<1x16xi32>
    tpu.vector_store %arg6[%swap3A_1230, %swap3A_1231], %swap3A_1234 {strides = array<i32>} : memref<4x128xi32, #tpu.memory_space<vmem>>, vector<1x16xi32>,
    %add3A_1235 = arith.constant 480 : i32
    %add3A_1236 = arith.addi %mul3A_4, %add3A_1235 : i32
    %iota3A_1237 = tpu.iota {dimensions = array<i32: 0>} : vector<16xi32>
    %add3A_1238 = vector.broadcast %add3A_1236 : i32 to vector<16xi32>
    %add3A_1239 = arith.addi %add3A_1238, %iota3A_1237 : vector<16xi32>
    %get3A_1240 = arith.constant 480 : index
    %get3A_1241 = tpu.vector_load %arg5[%get3A_1240] {strides = array<i32>} : memref<512xi32, #tpu.memory_space<vmem>>, vector<16xi32>,
    %get3A_1242 = vector.shape_cast %get3A_1241 : vector<16xi32> to vector<16xi32>
    %shift_right_arithmetic3A_1243 = arith.constant 3 : i32
    %shift_right_arithmetic3A_1244 = vector.broadcast %shift_right_arithmetic3A_1243 : i32 to vector<16xi32>
    %shift_right_arithmetic3A_1245 = arith.shrsi %add3A_1239, %shift_right_arithmetic3A_1244 : vector<16xi32>
    %mul3A_1246 = arith.constant 32 : i32
    %mul3A_1247 = vector.broadcast %mul3A_1246 : i32 to vector<16xi32>
    %mul3A_1248 = arith.muli %shift_right_arithmetic3A_1245, %mul3A_1247 : vector<16xi32>
    %shift_right_arithmetic3A_1249 = arith.constant 7 : i32
    %shift_right_arithmetic3A_1250 = vector.broadcast %shift_right_arithmetic3A_1249 : i32 to vector<16xi32>
    %shift_right_arithmetic3A_1251 = arith.shrsi %get3A_1242, %shift_right_arithmetic3A_1250 : vector<16xi32>
    %add3A_1252 = arith.addi %mul3A_1248, %shift_right_arithmetic3A_1251 : vector<16xi32>
    %mul3A_1253 = arith.constant 1024 : i32
    %mul3A_1254 = vector.broadcast %mul3A_1253 : i32 to vector<16xi32>
    %mul3A_1255 = arith.muli %add3A_1252, %mul3A_1254 : vector<16xi32>
    %and3A_1256 = arith.constant 7 : i32
    %and3A_1257 = vector.broadcast %and3A_1256 : i32 to vector<16xi32>
    %and3A_1258 = arith.andi %add3A_1239, %and3A_1257 : vector<16xi32>
    %mul3A_1259 = arith.constant 128 : i32
    %mul3A_1260 = vector.broadcast %mul3A_1259 : i32 to vector<16xi32>
    %mul3A_1261 = arith.muli %and3A_1258, %mul3A_1260 : vector<16xi32>
    %add3A_1262 = arith.addi %mul3A_1255, %mul3A_1261 : vector<16xi32>
    %and3A_1263 = arith.constant 127 : i32
    %and3A_1264 = vector.broadcast %and3A_1263 : i32 to vector<16xi32>
    %and3A_1265 = arith.andi %get3A_1242, %and3A_1264 : vector<16xi32>
    %add3A_1266 = arith.addi %add3A_1262, %and3A_1265 : vector<16xi32>
    %swap3A_1267 = arith.constant 3 : i32
    %swap3A_1268 = arith.index_cast %swap3A_1267 : i32 to index
    %swap3A_1269 = arith.constant 96 : index
    %swap3A_1270 = tpu.vector_load %arg6[%swap3A_1268, %swap3A_1269] {strides = array<i32>} : memref<4x128xi32, #tpu.memory_space<vmem>>, vector<1x16xi32>,
    %swap3A_1271 = vector.shape_cast %swap3A_1270 : vector<1x16xi32> to vector<16xi32>
    %swap3A_1272 = vector.shape_cast %add3A_1266 : vector<16xi32> to vector<1x16xi32>
    tpu.vector_store %arg6[%swap3A_1268, %swap3A_1269], %swap3A_1272 {strides = array<i32>} : memref<4x128xi32, #tpu.memory_space<vmem>>, vector<1x16xi32>,
    %add3A_1273 = arith.constant 496 : i32
    %add3A_1274 = arith.addi %mul3A_4, %add3A_1273 : i32
    %iota3A_1275 = tpu.iota {dimensions = array<i32: 0>} : vector<16xi32>
    %add3A_1276 = vector.broadcast %add3A_1274 : i32 to vector<16xi32>
    %add3A_1277 = arith.addi %add3A_1276, %iota3A_1275 : vector<16xi32>
    %get3A_1278 = arith.constant 496 : index
    %get3A_1279 = tpu.vector_load %arg5[%get3A_1278] {strides = array<i32>} : memref<512xi32, #tpu.memory_space<vmem>>, vector<16xi32>,
    %get3A_1280 = vector.shape_cast %get3A_1279 : vector<16xi32> to vector<16xi32>
    %shift_right_arithmetic3A_1281 = arith.constant 3 : i32
    %shift_right_arithmetic3A_1282 = vector.broadcast %shift_right_arithmetic3A_1281 : i32 to vector<16xi32>
    %shift_right_arithmetic3A_1283 = arith.shrsi %add3A_1277, %shift_right_arithmetic3A_1282 : vector<16xi32>
    %mul3A_1284 = arith.constant 32 : i32
    %mul3A_1285 = vector.broadcast %mul3A_1284 : i32 to vector<16xi32>
    %mul3A_1286 = arith.muli %shift_right_arithmetic3A_1283, %mul3A_1285 : vector<16xi32>
    %shift_right_arithmetic3A_1287 = arith.constant 7 : i32
    %shift_right_arithmetic3A_1288 = vector.broadcast %shift_right_arithmetic3A_1287 : i32 to vector<16xi32>
    %shift_right_arithmetic3A_1289 = arith.shrsi %get3A_1280, %shift_right_arithmetic3A_1288 : vector<16xi32>
    %add3A_1290 = arith.addi %mul3A_1286, %shift_right_arithmetic3A_1289 : vector<16xi32>
    %mul3A_1291 = arith.constant 1024 : i32
    %mul3A_1292 = vector.broadcast %mul3A_1291 : i32 to vector<16xi32>
    %mul3A_1293 = arith.muli %add3A_1290, %mul3A_1292 : vector<16xi32>
    %and3A_1294 = arith.constant 7 : i32
    %and3A_1295 = vector.broadcast %and3A_1294 : i32 to vector<16xi32>
    %and3A_1296 = arith.andi %add3A_1277, %and3A_1295 : vector<16xi32>
    %mul3A_1297 = arith.constant 128 : i32
    %mul3A_1298 = vector.broadcast %mul3A_1297 : i32 to vector<16xi32>
    %mul3A_1299 = arith.muli %and3A_1296, %mul3A_1298 : vector<16xi32>
    %add3A_1300 = arith.addi %mul3A_1293, %mul3A_1299 : vector<16xi32>
    %and3A_1301 = arith.constant 127 : i32
    %and3A_1302 = vector.broadcast %and3A_1301 : i32 to vector<16xi32>
    %and3A_1303 = arith.andi %get3A_1280, %and3A_1302 : vector<16xi32>
    %add3A_1304 = arith.addi %add3A_1300, %and3A_1303 : vector<16xi32>
    %swap3A_1305 = arith.constant 3 : i32
    %swap3A_1306 = arith.index_cast %swap3A_1305 : i32 to index
    %swap3A_1307 = arith.constant 112 : index
    %swap3A_1308 = tpu.vector_load %arg6[%swap3A_1306, %swap3A_1307] {strides = array<i32>} : memref<4x128xi32, #tpu.memory_space<vmem>>, vector<1x16xi32>,
    %swap3A_1309 = vector.shape_cast %swap3A_1308 : vector<1x16xi32> to vector<16xi32>
    %swap3A_1310 = vector.shape_cast %add3A_1304 : vector<16xi32> to vector<1x16xi32>
    tpu.vector_store %arg6[%swap3A_1306, %swap3A_1307], %swap3A_1310 {strides = array<i32>} : memref<4x128xi32, #tpu.memory_space<vmem>>, vector<1x16xi32>,
    %dma_start3A_1311 = arith.constant 3 : i32
    %dma_start3A_1312 = arith.constant 384 : i32
    %dma_start3A_1313 = tpu.memref_slice %arg7[%dma_start3A_1312] : memref<512xf32, #tpu.memory_space<vmem>> -> memref<128xf32, #tpu.memory_space<vmem>>
    %dma_start3A_1314 = arith.constant 0 : i32
    %dma_start3A_1315 = tpu.memref_slice %arg6[%dma_start3A_1311, %dma_start3A_1314] : memref<4x128xi32, #tpu.memory_space<vmem>> -> memref<1x128xi32, #tpu.memory_space<vmem>>
    %dma_start3A_1316 = tpu.memref_squeeze %dma_start3A_1315 : memref<1x128xi32, #tpu.memory_space<vmem>> -> memref<128xi32, #tpu.memory_space<vmem>>
    %dma_start3A_1317 = arith.constant 0 : i32
    %dma_start3A_1318 = tpu.memref_slice %arg2[%dma_start3A_1317] : memref<33554432xf32, #tpu.memory_space<hbm>> -> memref<33554432xf32, #tpu.memory_space<hbm>>
    tpu.enqueue_indirect_dma source(%dma_start3A_1318 : memref<33554432xf32, #tpu.memory_space<hbm>>) target(%dma_start3A_1313 : memref<128xf32, #tpu.memory_space<vmem>>) offsets(%dma_start3A_1316 : memref<128xi32, #tpu.memory_space<vmem>>) semaphore(%arg8 : memref<!tpu.dma_semaphore, #tpu.memory_space<semaphore_mem>>)
    %dma_wait3A_1319 = arith.constant 0 : i32
    %dma_wait3A_1320 = arith.constant 0 : i32
    %dma_wait3A_1321 = tpu.memref_slice %arg7[%dma_wait3A_1320] : memref<512xf32, #tpu.memory_space<vmem>> -> memref<128xf32, #tpu.memory_space<vmem>>
    %dma_wait3A_1322 = arith.constant 0 : i32
    %dma_wait3A_1323 = tpu.memref_slice %arg6[%dma_wait3A_1319, %dma_wait3A_1322] : memref<4x128xi32, #tpu.memory_space<vmem>> -> memref<1x128xi32, #tpu.memory_space<vmem>>
    %dma_wait3A_1324 = tpu.memref_squeeze %dma_wait3A_1323 : memref<1x128xi32, #tpu.memory_space<vmem>> -> memref<128xi32, #tpu.memory_space<vmem>>
    %dma_wait3A_1325 = arith.constant 0 : i32
    %dma_wait3A_1326 = tpu.memref_slice %arg2[%dma_wait3A_1325] : memref<33554432xf32, #tpu.memory_space<hbm>> -> memref<33554432xf32, #tpu.memory_space<hbm>>
    tpu.wait_indirect_dma semaphore(%arg8 : memref<!tpu.dma_semaphore, #tpu.memory_space<semaphore_mem>>) src(%dma_wait3A_1326 : memref<33554432xf32, #tpu.memory_space<hbm>>) dst(%dma_wait3A_1321 : memref<128xf32, #tpu.memory_space<vmem>>)
    %add3A_1327 = arith.constant 0 : i32
    %add3A_1328 = arith.addi %mul3A_2, %add3A_1327 : i32
    %dma_start3A_1329 = arith.constant 0 : i32
    %dma_start3A_1330 = tpu.memref_slice %arg7[%dma_start3A_1329] : memref<512xf32, #tpu.memory_space<vmem>> -> memref<128xf32, #tpu.memory_space<vmem>>
    %dma_start3A_1331 = tpu.memref_slice %arg4[%shift_right_arithmetic3A_0, %add3A_1328] : memref<4x2048xf32, #tpu.memory_space<hbm>> -> memref<1x128xf32, #tpu.memory_space<hbm>>
    %dma_start3A_1332 = tpu.memref_squeeze %dma_start3A_1331 : memref<1x128xf32, #tpu.memory_space<hbm>> -> memref<128xf32, #tpu.memory_space<hbm>>
    %dma_start3A_1333 = tpu.memref_slice %arg4[%shift_right_arithmetic3A_0, %add3A_1328] : memref<4x2048xf32, #tpu.memory_space<hbm>> -> memref<1x128xf32, #tpu.memory_space<hbm>>
    %dma_start3A_1334 = tpu.memref_squeeze %dma_start3A_1333 : memref<1x128xf32, #tpu.memory_space<hbm>> -> memref<128xf32, #tpu.memory_space<hbm>>
    %dma_start3A_1335 = arith.constant 0 : i32
    %dma_start3A_1336 = tpu.memref_slice %arg7[%dma_start3A_1335] : memref<512xf32, #tpu.memory_space<vmem>> -> memref<128xf32, #tpu.memory_space<vmem>>
    tpu.enqueue_dma source(%dma_start3A_1336 : memref<128xf32, #tpu.memory_space<vmem>>) target(%dma_start3A_1334 : memref<128xf32, #tpu.memory_space<hbm>>) target_semaphore(%arg9 : memref<!tpu.dma_semaphore, #tpu.memory_space<semaphore_mem>>)
    %dma_wait3A_1337 = arith.constant 1 : i32
    %dma_wait3A_1338 = arith.constant 128 : i32
    %dma_wait3A_1339 = tpu.memref_slice %arg7[%dma_wait3A_1338] : memref<512xf32, #tpu.memory_space<vmem>> -> memref<128xf32, #tpu.memory_space<vmem>>
    %dma_wait3A_1340 = arith.constant 0 : i32
    %dma_wait3A_1341 = tpu.memref_slice %arg6[%dma_wait3A_1337, %dma_wait3A_1340] : memref<4x128xi32, #tpu.memory_space<vmem>> -> memref<1x128xi32, #tpu.memory_space<vmem>>
    %dma_wait3A_1342 = tpu.memref_squeeze %dma_wait3A_1341 : memref<1x128xi32, #tpu.memory_space<vmem>> -> memref<128xi32, #tpu.memory_space<vmem>>
    %dma_wait3A_1343 = arith.constant 0 : i32
    %dma_wait3A_1344 = tpu.memref_slice %arg2[%dma_wait3A_1343] : memref<33554432xf32, #tpu.memory_space<hbm>> -> memref<33554432xf32, #tpu.memory_space<hbm>>
    tpu.wait_indirect_dma semaphore(%arg8 : memref<!tpu.dma_semaphore, #tpu.memory_space<semaphore_mem>>) src(%dma_wait3A_1344 : memref<33554432xf32, #tpu.memory_space<hbm>>) dst(%dma_wait3A_1339 : memref<128xf32, #tpu.memory_space<vmem>>)
    %add3A_1345 = arith.constant 128 : i32
    %add3A_1346 = arith.addi %mul3A_2, %add3A_1345 : i32
    %dma_start3A_1347 = arith.constant 128 : i32
    %dma_start3A_1348 = tpu.memref_slice %arg7[%dma_start3A_1347] : memref<512xf32, #tpu.memory_space<vmem>> -> memref<128xf32, #tpu.memory_space<vmem>>
    %dma_start3A_1349 = tpu.memref_slice %arg4[%shift_right_arithmetic3A_0, %add3A_1346] : memref<4x2048xf32, #tpu.memory_space<hbm>> -> memref<1x128xf32, #tpu.memory_space<hbm>>
    %dma_start3A_1350 = tpu.memref_squeeze %dma_start3A_1349 : memref<1x128xf32, #tpu.memory_space<hbm>> -> memref<128xf32, #tpu.memory_space<hbm>>
    %dma_start3A_1351 = tpu.memref_slice %arg4[%shift_right_arithmetic3A_0, %add3A_1346] : memref<4x2048xf32, #tpu.memory_space<hbm>> -> memref<1x128xf32, #tpu.memory_space<hbm>>
    %dma_start3A_1352 = tpu.memref_squeeze %dma_start3A_1351 : memref<1x128xf32, #tpu.memory_space<hbm>> -> memref<128xf32, #tpu.memory_space<hbm>>
    %dma_start3A_1353 = arith.constant 128 : i32
    %dma_start3A_1354 = tpu.memref_slice %arg7[%dma_start3A_1353] : memref<512xf32, #tpu.memory_space<vmem>> -> memref<128xf32, #tpu.memory_space<vmem>>
    tpu.enqueue_dma source(%dma_start3A_1354 : memref<128xf32, #tpu.memory_space<vmem>>) target(%dma_start3A_1352 : memref<128xf32, #tpu.memory_space<hbm>>) target_semaphore(%arg9 : memref<!tpu.dma_semaphore, #tpu.memory_space<semaphore_mem>>)
    %dma_wait3A_1355 = arith.constant 2 : i32
    %dma_wait3A_1356 = arith.constant 256 : i32
    %dma_wait3A_1357 = tpu.memref_slice %arg7[%dma_wait3A_1356] : memref<512xf32, #tpu.memory_space<vmem>> -> memref<128xf32, #tpu.memory_space<vmem>>
    %dma_wait3A_1358 = arith.constant 0 : i32
    %dma_wait3A_1359 = tpu.memref_slice %arg6[%dma_wait3A_1355, %dma_wait3A_1358] : memref<4x128xi32, #tpu.memory_space<vmem>> -> memref<1x128xi32, #tpu.memory_space<vmem>>
    %dma_wait3A_1360 = tpu.memref_squeeze %dma_wait3A_1359 : memref<1x128xi32, #tpu.memory_space<vmem>> -> memref<128xi32, #tpu.memory_space<vmem>>
    %dma_wait3A_1361 = arith.constant 0 : i32
    %dma_wait3A_1362 = tpu.memref_slice %arg2[%dma_wait3A_1361] : memref<33554432xf32, #tpu.memory_space<hbm>> -> memref<33554432xf32, #tpu.memory_space<hbm>>
    tpu.wait_indirect_dma semaphore(%arg8 : memref<!tpu.dma_semaphore, #tpu.memory_space<semaphore_mem>>) src(%dma_wait3A_1362 : memref<33554432xf32, #tpu.memory_space<hbm>>) dst(%dma_wait3A_1357 : memref<128xf32, #tpu.memory_space<vmem>>)
    %add3A_1363 = arith.constant 256 : i32
    %add3A_1364 = arith.addi %mul3A_2, %add3A_1363 : i32
    %dma_start3A_1365 = arith.constant 256 : i32
    %dma_start3A_1366 = tpu.memref_slice %arg7[%dma_start3A_1365] : memref<512xf32, #tpu.memory_space<vmem>> -> memref<128xf32, #tpu.memory_space<vmem>>
    %dma_start3A_1367 = tpu.memref_slice %arg4[%shift_right_arithmetic3A_0, %add3A_1364] : memref<4x2048xf32, #tpu.memory_space<hbm>> -> memref<1x128xf32, #tpu.memory_space<hbm>>
    %dma_start3A_1368 = tpu.memref_squeeze %dma_start3A_1367 : memref<1x128xf32, #tpu.memory_space<hbm>> -> memref<128xf32, #tpu.memory_space<hbm>>
    %dma_start3A_1369 = tpu.memref_slice %arg4[%shift_right_arithmetic3A_0, %add3A_1364] : memref<4x2048xf32, #tpu.memory_space<hbm>> -> memref<1x128xf32, #tpu.memory_space<hbm>>
    %dma_start3A_1370 = tpu.memref_squeeze %dma_start3A_1369 : memref<1x128xf32, #tpu.memory_space<hbm>> -> memref<128xf32, #tpu.memory_space<hbm>>
    %dma_start3A_1371 = arith.constant 256 : i32
    %dma_start3A_1372 = tpu.memref_slice %arg7[%dma_start3A_1371] : memref<512xf32, #tpu.memory_space<vmem>> -> memref<128xf32, #tpu.memory_space<vmem>>
    tpu.enqueue_dma source(%dma_start3A_1372 : memref<128xf32, #tpu.memory_space<vmem>>) target(%dma_start3A_1370 : memref<128xf32, #tpu.memory_space<hbm>>) target_semaphore(%arg9 : memref<!tpu.dma_semaphore, #tpu.memory_space<semaphore_mem>>)
    %dma_wait3A_1373 = arith.constant 3 : i32
    %dma_wait3A_1374 = arith.constant 384 : i32
    %dma_wait3A_1375 = tpu.memref_slice %arg7[%dma_wait3A_1374] : memref<512xf32, #tpu.memory_space<vmem>> -> memref<128xf32, #tpu.memory_space<vmem>>
    %dma_wait3A_1376 = arith.constant 0 : i32
    %dma_wait3A_1377 = tpu.memref_slice %arg6[%dma_wait3A_1373, %dma_wait3A_1376] : memref<4x128xi32, #tpu.memory_space<vmem>> -> memref<1x128xi32, #tpu.memory_space<vmem>>
    %dma_wait3A_1378 = tpu.memref_squeeze %dma_wait3A_1377 : memref<1x128xi32, #tpu.memory_space<vmem>> -> memref<128xi32, #tpu.memory_space<vmem>>
    %dma_wait3A_1379 = arith.constant 0 : i32
    %dma_wait3A_1380 = tpu.memref_slice %arg2[%dma_wait3A_1379] : memref<33554432xf32, #tpu.memory_space<hbm>> -> memref<33554432xf32, #tpu.memory_space<hbm>>
    tpu.wait_indirect_dma semaphore(%arg8 : memref<!tpu.dma_semaphore, #tpu.memory_space<semaphore_mem>>) src(%dma_wait3A_1380 : memref<33554432xf32, #tpu.memory_space<hbm>>) dst(%dma_wait3A_1375 : memref<128xf32, #tpu.memory_space<vmem>>)
    %add3A_1381 = arith.constant 384 : i32
    %add3A_1382 = arith.addi %mul3A_2, %add3A_1381 : i32
    %dma_start3A_1383 = arith.constant 384 : i32
    %dma_start3A_1384 = tpu.memref_slice %arg7[%dma_start3A_1383] : memref<512xf32, #tpu.memory_space<vmem>> -> memref<128xf32, #tpu.memory_space<vmem>>
    %dma_start3A_1385 = tpu.memref_slice %arg4[%shift_right_arithmetic3A_0, %add3A_1382] : memref<4x2048xf32, #tpu.memory_space<hbm>> -> memref<1x128xf32, #tpu.memory_space<hbm>>
    %dma_start3A_1386 = tpu.memref_squeeze %dma_start3A_1385 : memref<1x128xf32, #tpu.memory_space<hbm>> -> memref<128xf32, #tpu.memory_space<hbm>>
    %dma_start3A_1387 = tpu.memref_slice %arg4[%shift_right_arithmetic3A_0, %add3A_1382] : memref<4x2048xf32, #tpu.memory_space<hbm>> -> memref<1x128xf32, #tpu.memory_space<hbm>>
    %dma_start3A_1388 = tpu.memref_squeeze %dma_start3A_1387 : memref<1x128xf32, #tpu.memory_space<hbm>> -> memref<128xf32, #tpu.memory_space<hbm>>
    %dma_start3A_1389 = arith.constant 384 : i32
    %dma_start3A_1390 = tpu.memref_slice %arg7[%dma_start3A_1389] : memref<512xf32, #tpu.memory_space<vmem>> -> memref<128xf32, #tpu.memory_space<vmem>>
    tpu.enqueue_dma source(%dma_start3A_1390 : memref<128xf32, #tpu.memory_space<vmem>>) target(%dma_start3A_1388 : memref<128xf32, #tpu.memory_space<hbm>>) target_semaphore(%arg9 : memref<!tpu.dma_semaphore, #tpu.memory_space<semaphore_mem>>)
    %dma_wait3A_1391 = arith.constant 0 : i32
    %dma_wait3A_1392 = tpu.memref_slice %arg7[%dma_wait3A_1391] : memref<512xf32, #tpu.memory_space<vmem>> -> memref<128xf32, #tpu.memory_space<vmem>>
    %dma_wait3A_1393 = tpu.memref_slice %arg4[%shift_right_arithmetic3A_0, %add3A_1328] : memref<4x2048xf32, #tpu.memory_space<hbm>> -> memref<1x128xf32, #tpu.memory_space<hbm>>
    %dma_wait3A_1394 = tpu.memref_squeeze %dma_wait3A_1393 : memref<1x128xf32, #tpu.memory_space<hbm>> -> memref<128xf32, #tpu.memory_space<hbm>>
    %dma_wait3A_1395 = tpu.memref_slice %arg4[%shift_right_arithmetic3A_0, %add3A_1328] : memref<4x2048xf32, #tpu.memory_space<hbm>> -> memref<1x128xf32, #tpu.memory_space<hbm>>
    %dma_wait3A_1396 = tpu.memref_squeeze %dma_wait3A_1395 : memref<1x128xf32, #tpu.memory_space<hbm>> -> memref<128xf32, #tpu.memory_space<hbm>>
    %dma_wait3A_1397 = arith.constant 0 : i32
    %dma_wait3A_1398 = tpu.memref_slice %arg7[%dma_wait3A_1397] : memref<512xf32, #tpu.memory_space<vmem>> -> memref<128xf32, #tpu.memory_space<vmem>>
    tpu.wait_dma2 semaphore(%arg9 : memref<!tpu.dma_semaphore, #tpu.memory_space<semaphore_mem>>) src(%dma_wait3A_1398 : memref<128xf32, #tpu.memory_space<vmem>>) dst(%dma_wait3A_1396 : memref<128xf32, #tpu.memory_space<hbm>>)
    %dma_wait3A_1399 = arith.constant 128 : i32
    %dma_wait3A_1400 = tpu.memref_slice %arg7[%dma_wait3A_1399] : memref<512xf32, #tpu.memory_space<vmem>> -> memref<128xf32, #tpu.memory_space<vmem>>
    %dma_wait3A_1401 = tpu.memref_slice %arg4[%shift_right_arithmetic3A_0, %add3A_1346] : memref<4x2048xf32, #tpu.memory_space<hbm>> -> memref<1x128xf32, #tpu.memory_space<hbm>>
    %dma_wait3A_1402 = tpu.memref_squeeze %dma_wait3A_1401 : memref<1x128xf32, #tpu.memory_space<hbm>> -> memref<128xf32, #tpu.memory_space<hbm>>
    %dma_wait3A_1403 = tpu.memref_slice %arg4[%shift_right_arithmetic3A_0, %add3A_1346] : memref<4x2048xf32, #tpu.memory_space<hbm>> -> memref<1x128xf32, #tpu.memory_space<hbm>>
    %dma_wait3A_1404 = tpu.memref_squeeze %dma_wait3A_1403 : memref<1x128xf32, #tpu.memory_space<hbm>> -> memref<128xf32, #tpu.memory_space<hbm>>
    %dma_wait3A_1405 = arith.constant 128 : i32
    %dma_wait3A_1406 = tpu.memref_slice %arg7[%dma_wait3A_1405] : memref<512xf32, #tpu.memory_space<vmem>> -> memref<128xf32, #tpu.memory_space<vmem>>
    tpu.wait_dma2 semaphore(%arg9 : memref<!tpu.dma_semaphore, #tpu.memory_space<semaphore_mem>>) src(%dma_wait3A_1406 : memref<128xf32, #tpu.memory_space<vmem>>) dst(%dma_wait3A_1404 : memref<128xf32, #tpu.memory_space<hbm>>)
    %dma_wait3A_1407 = arith.constant 256 : i32
    %dma_wait3A_1408 = tpu.memref_slice %arg7[%dma_wait3A_1407] : memref<512xf32, #tpu.memory_space<vmem>> -> memref<128xf32, #tpu.memory_space<vmem>>
    %dma_wait3A_1409 = tpu.memref_slice %arg4[%shift_right_arithmetic3A_0, %add3A_1364] : memref<4x2048xf32, #tpu.memory_space<hbm>> -> memref<1x128xf32, #tpu.memory_space<hbm>>
    %dma_wait3A_1410 = tpu.memref_squeeze %dma_wait3A_1409 : memref<1x128xf32, #tpu.memory_space<hbm>> -> memref<128xf32, #tpu.memory_space<hbm>>
    %dma_wait3A_1411 = tpu.memref_slice %arg4[%shift_right_arithmetic3A_0, %add3A_1364] : memref<4x2048xf32, #tpu.memory_space<hbm>> -> memref<1x128xf32, #tpu.memory_space<hbm>>
    %dma_wait3A_1412 = tpu.memref_squeeze %dma_wait3A_1411 : memref<1x128xf32, #tpu.memory_space<hbm>> -> memref<128xf32, #tpu.memory_space<hbm>>
    %dma_wait3A_1413 = arith.constant 256 : i32
    %dma_wait3A_1414 = tpu.memref_slice %arg7[%dma_wait3A_1413] : memref<512xf32, #tpu.memory_space<vmem>> -> memref<128xf32, #tpu.memory_space<vmem>>
    tpu.wait_dma2 semaphore(%arg9 : memref<!tpu.dma_semaphore, #tpu.memory_space<semaphore_mem>>) src(%dma_wait3A_1414 : memref<128xf32, #tpu.memory_space<vmem>>) dst(%dma_wait3A_1412 : memref<128xf32, #tpu.memory_space<hbm>>)
    %dma_wait3A_1415 = arith.constant 384 : i32
    %dma_wait3A_1416 = tpu.memref_slice %arg7[%dma_wait3A_1415] : memref<512xf32, #tpu.memory_space<vmem>> -> memref<128xf32, #tpu.memory_space<vmem>>
    %dma_wait3A_1417 = tpu.memref_slice %arg4[%shift_right_arithmetic3A_0, %add3A_1382] : memref<4x2048xf32, #tpu.memory_space<hbm>> -> memref<1x128xf32, #tpu.memory_space<hbm>>
    %dma_wait3A_1418 = tpu.memref_squeeze %dma_wait3A_1417 : memref<1x128xf32, #tpu.memory_space<hbm>> -> memref<128xf32, #tpu.memory_space<hbm>>
    %dma_wait3A_1419 = tpu.memref_slice %arg4[%shift_right_arithmetic3A_0, %add3A_1382] : memref<4x2048xf32, #tpu.memory_space<hbm>> -> memref<1x128xf32, #tpu.memory_space<hbm>>
    %dma_wait3A_1420 = tpu.memref_squeeze %dma_wait3A_1419 : memref<1x128xf32, #tpu.memory_space<hbm>> -> memref<128xf32, #tpu.memory_space<hbm>>
    %dma_wait3A_1421 = arith.constant 384 : i32
    %dma_wait3A_1422 = tpu.memref_slice %arg7[%dma_wait3A_1421] : memref<512xf32, #tpu.memory_space<vmem>> -> memref<128xf32, #tpu.memory_space<vmem>>
    tpu.wait_dma2 semaphore(%arg9 : memref<!tpu.dma_semaphore, #tpu.memory_space<semaphore_mem>>) src(%dma_wait3A_1422 : memref<128xf32, #tpu.memory_space<vmem>>) dst(%dma_wait3A_1420 : memref<128xf32, #tpu.memory_space<hbm>>)
    return
  }
}

</mosaic_0001>

<sc_bundles>
// kernel: kernel.3.cloned.1.call-start
scs
__scs_entry_jumppad:
0x0: {  	(pc) =	sbr.rel $0x88, $3  }
0x1: {  	(tag) =	ssettag $0x0;
	lr =	simm.s32 $0x1  }
0x2: {  	[smem:$0x3F9F] =	sst lr;
	_ =	strace $0xD0000000  }
0x3: {  	_ = 	snop  }
0x4: {  	_ = 	snop  }
0x5: {  	_ = 	snop  }
0x6: {  	_ = 	snop  }
0x7: {  	_ = 	snop  }
__scs_overlays_trampoline_lowered:
0x8: {  	[smem:$0x3FAE] =	sst s0  }
0x9: {  	[smem:$0x3FAF] =	sst s1  }
0xa: {  	[smem:$0x3FB0] =	sst s2  }
0xb: {  	[smem:$0x3FB1] =	sst s3  }
0xc: {  	[smem:$0x3FB2] =	sst s4  }
0xd: {  	[smem:$0x3FB3] =	sst s5  }
0xe: {  	[smem:$0x3FB4] =	sst s6  }
0xf: {  	[smem:$0x3FB5] =	sst s7  }
0x10: {  	[smem:$0x3FB6] =	sst s8  }
0x11: {  	[smem:$0x3FB7] =	sst s9;
	s0 =	simm.s32 @!p0 $0x0  }
0x12: {  	s1 =	sld [smem:$0x3F9D];
	s0 =	simm.s32 @p0 $0x1  }
0x13: {  	[smem:$0x3FB8] =	sst s0;
	s0 =	simm.s32 @!p1 $0x0  }
0x14: {  	s2 =	sld [smem:$0x3F9C];
	s0 =	simm.s32 @p1 $0x1  }
0x15: {  	[smem:$0x3FB9] =	sst s0;
	s0 =	simm.s32 @!p2 $0x0  }
0x16: {  	s3 =	sld [smem:$0x3FDB];
	s0 =	simm.s32 @p2 $0x1  }
0x17: {  	s4 =	simm.s32 $0x1BF5;
	[smem:$0x3FBB] =	sst s0  }
0x18: {  	s0 =	sld [smem:$0x3F9E];
	_ =	swait.ge [sflag:s4], $0x0  }
0x19: {  	s7 =	sld [smem:$0x3F9F]  }
0x1a: {  	s8 =	sadd.s32 $0xFFFFE003, lr  }
0x1b: {  	s9 =	sadd.s32 $0xFFFFFEF7, lr;
	s5 =	simm.s32 $0xFFFFFFFF;
	p2 =	slt.u32 s8, $0xFFFFF086  }
0x1c: {  	p1 =	slt.u32 s9, $0xF7A;
	s5 =	simm.s32 @!p2 $0x0  }
0x1d: {  	s5 =	simm.s32 @p1 $0x1;
	p0 =	seq.s32 s7, s2  }
0x1e: {  	s7 =	smul.u32 @!p0 $0xF7A, s2;
	p2 =	seq.s32 @!p0 s5, $0x0  }
0x1f: {  	s9 =	smul.u32 $0xF7A, s1;
	s8 =	simm.s32 @!p0 $0x1BF5;
	p2 =	por !p2, p0  }
0x20: {  	[sflag:s8] =	ssyncset.s32 @!p0 $0xFFFFF086;
	s6 =	sadd.s32 @!p0 s3, s7;
	s7 =	simm.s32 @!p0 $0x108  }
0x21: {  	s3 =	sadd.s32 s3, s9;
	s6 =	sadd.s32 @!p0 $0x88, s6;
	s7 =	simm.s32 @p2 $0x1082  }
0x22: {  	[simem:s7], [sflag:s8] =	dma.local @!p0 [hbm:s6], $0xF7A  }
0x23: {  	s9 =	sor.u32 $0xD0000000, s2;
	s6 =	simm.s32 $0x108;
	_ =	swait.ge @!p0 [sflag:s8], $0x0  }
0x24: {  	s3 =	sadd.s32 $0x88, s3;
	s6 =	simm.s32 @!p1 $0x1082;
	[sflag:s4] =	ssyncset.s32 $0xFFFFF086  }
0x25: {  	[simem:s6], [sflag:s4] =	dma.local [hbm:s3], $0xF7A  }
0x26: {  	[smem:$0x3F9F] =	sst s1;
	(tag) =	ssettag s2;
	_ =	strace s9  }
0x27: {  	s1 =	sld [smem:$0x3FAF]  }
0x28: {  	s2 =	sld [smem:$0x3FB0]  }
0x29: {  	s4 =	sld [smem:$0x3FB2]  }
0x2a: {  	p0 =	seq.s32 s5, $0x0;
	s5 =	sld [smem:$0x3FB3]  }
0x2b: {  	s6 =	sld [smem:$0x3FB4]  }
0x2c: {  	s7 =	sld [smem:$0x3FB5]  }
0x2d: {  	s3 =	simm.s32 $0x108;
	s8 =	sld [smem:$0x3FB6]  }
0x2e: {  	s3 =	simm.s32 @!p0 $0x1082;
	s9 =	sld [smem:$0x3FB7]  }
0x2f: {  	lr =	sadd.s32 s0, s3;
	s0 =	sld [smem:$0x3FAE]  }
0x30: {  	s3 =	sld [smem:$0x3FB1]  }
0x31: {  	[smem:$0x3FBA] =	sst s10  }
0x32: {  	s10 =	sld [smem:$0x3FB8];
	_ =	sdelay $0x3  }
0x33: {  	p0 =	seq.s32 s10, $0x1;
	s10 =	sld [smem:$0x3FBA];
	_ =	sdelay $0x3  }
0x34: {  	[smem:$0x3FBA] =	sst s10  }
0x35: {  	s10 =	sld [smem:$0x3FB9];
	_ =	sdelay $0x3  }
0x36: {  	p1 =	seq.s32 s10, $0x1;
	s10 =	sld [smem:$0x3FBA];
	_ =	sdelay $0x3  }
0x37: {  	[smem:$0x3FBA] =	sst s10  }
0x38: {  	s10 =	sld [smem:$0x3FBB]  }
0x39: {  	_ = 	snop;
	(pc) =	sbr.ind lr, $3  }
0x3a: {  	_ = 	snop  }
0x3b: {  	_ = 	snop  }
0x3c: {  	p2 =	seq.s32 s10, $0x1;
	s10 =	sld [smem:$0x3FBA]  }
0x3d: {  	_ =	shalt  }
0x3e: {  	_ =	shalt  }
0x3f: {  	_ =	shalt  }
0x40: {  	_ =	shalt  }
0x41: {  	_ =	shalt  }
0x42: {  	_ =	shalt  }
0x43: {  	_ =	shalt  }
0x44: {  	_ =	shalt  }
0x45: {  	_ =	shalt  }
0x46: {  	_ =	shalt  }
0x47: {  	_ =	shalt  }
0x48: {  	_ =	shalt  }
0x49: {  	_ =	shalt  }
0x4a: {  	_ =	shalt  }
0x4b: {  	_ =	shalt  }
0x4c: {  	_ =	shalt  }
0x4d: {  	_ =	shalt  }
0x4e: {  	_ =	shalt  }
0x4f: {  	_ =	shalt  }
0x50: {  	_ =	shalt  }
0x51: {  	_ =	shalt  }
0x52: {  	_ =	shalt  }
0x53: {  	_ =	shalt  }
0x54: {  	_ =	shalt  }
0x55: {  	_ =	shalt  }
0x56: {  	_ =	shalt  }
0x57: {  	_ =	shalt  }
0x58: {  	_ =	shalt  }
0x59: {  	_ =	shalt  }
0x5a: {  	_ =	shalt  }
0x5b: {  	_ =	shalt  }
0x5c: {  	_ =	shalt  }
0x5d: {  	_ =	shalt  }
0x5e: {  	_ =	shalt  }
0x5f: {  	_ =	shalt  }
0x60: {  	_ =	shalt  }
0x61: {  	_ =	shalt  }
0x62: {  	_ =	shalt  }
0x63: {  	_ =	shalt  }
0x64: {  	_ =	shalt  }
0x65: {  	_ =	shalt  }
0x66: {  	_ =	shalt  }
0x67: {  	_ =	shalt  }
0x68: {  	_ =	shalt  }
0x69: {  	_ =	shalt  }
0x6a: {  	_ =	shalt  }
0x6b: {  	_ =	shalt  }
0x6c: {  	_ =	shalt  }
0x6d: {  	_ =	shalt  }
0x6e: {  	_ =	shalt  }
0x6f: {  	_ =	shalt  }
0x70: {  	_ =	shalt  }
0x71: {  	_ =	shalt  }
0x72: {  	_ =	shalt  }
0x73: {  	_ =	shalt  }
0x74: {  	_ =	shalt  }
0x75: {  	_ =	shalt  }
0x76: {  	_ =	shalt  }
0x77: {  	_ =	shalt  }
0x78: {  	_ =	shalt  }
0x79: {  	_ =	shalt  }
0x7a: {  	_ =	shalt  }
0x7b: {  	_ =	shalt  }
0x7c: {  	_ =	shalt  }
0x7d: {  	_ =	shalt  }
0x7e: {  	_ =	shalt  }
0x7f: {  	_ =	shalt  }
0x80: {  	_ =	shalt  }
0x81: {  	_ =	shalt  }
0x82: {  	_ =	shalt  }
0x83: {  	_ =	shalt  }
0x84: {  	_ =	shalt  }
0x85: {  	_ =	shalt  }
0x86: {  	_ =	shalt  }
0x87: {  	_ =	shalt  }
.Lfunc_end0:
.L_simem_size_0:
called_computation_lowered:
.L_overlay_start_0:
0x88: {  	s0 =	sld [smem:$0x3FD9]  }
0x89: {  	s1 =	sld [smem:$0x3FFE];
	_ =	sdelay $0x3  }
0x8a: {  	s0 =	sadd.s32 s1, s0  }
0x8b: {  	[smem:$0x3FC6] =	sst s0  }
0x8c: {  	_ = 	snop  }
0x8d: {  	s0 =	sld [smem:$0x3FC9]  }
0x8e: {  	s17 =	sld [smem:$0x3FC8]  }
0x8f: {  	s2 =	sld [smem:$0x3FD0];
	(tm) =	ssettm $0x1  }
0x90: {  	s3 =	sld [smem:$0x3FFB];
	_ =	sdelay $0x3  }
0x91: {  	_ =	strace s3  }
0x92: {  	s3 =	sld [smem:$0x3FFC];
	_ =	sdelay $0x3  }
0x93: {  	_ =	strace s3  }
0x94: {  	s3 =	sld [smem:$0x3FFD];
	_ =	sdelay $0x3  }
0x95: {  	_ =	strace s3  }
0x96: {  	_ =	strace $0x8FFFFFFF  }
0x97: {  	s18 =	sld [smem:$0x3FDB];
	_ =	sdelay $0x1  }
0x98: {  	s4 =	simm.s32 $_scs_section_size  }
0x99: {  	s5 =	simm.s32 $_size__tile_overlayer_lowered;
	s6 =	simm.s32 $_tile_overlayer_lowered  }
0x9a: {  	s21 =	simm.s32 $0x1BFF;
	s20 =	sshll.u32 s6, $0x1;
	s3 =	sadd.s32 s4, s18  }
0x9b: {  	s7 =	simm.s32 $0x0;
	s19 =	sshll.u32 s5, $0x1;
	s5 =	sadd.s32 s20, s3  }
0x9c: {  	[timem:s7], [sflag:s21] =	dma.local [hbm:s5], s19  }
0x9d: {  	_ =	swait.ge [sflag:s21], s19  }
0x9e: {  	s4 =	ssub.s32 $0x0, s19;
	[sflag:s21] =	ssyncset.done $0x0  }
0x9f: {  	[sflag:s21] =	ssyncadd.s32 s4;
	_ =	sdelay $0x1  }
0xa0: {  	s22 =	simm.s32 $0x1B8B  }
0xa1: {  	_ =	swait.ge [sflag:s22], $0x1  }
0xa2: {  	[sflag:s22] =	ssyncset.done $0x0  }
0xa3: {  	s23 =	simm.s32 $0x1B8E;
	[sflag:s22] =	ssyncadd.s32 $0xFFFFFFFF  }
0xa4: {  	s24 =	simm.s32 $execute0_lowered;
	[smem:$0x3FD2] =	sst s23  }
0xa5: {  	s4 =	sshll.u32 s24, $0x1;
	_ =	strace $0x80000046;
	[dreg:$0x1] =	wrdreg $0xFFFFFFFF  }
0xa6: {  	s25 =	simm.s32 $_size_execute0_lowered;
	s3 =	sadd.s32 s3, s4;
	[dreg:$0x0] =	wrdreg $0x0  }
0xa7: {  	s4 =	sshll.u32 s25, $0x1;
	[dreg:$0x2] =	wrdreg s3  }
0xa8: {  	[dreg:$0x3] =	wrdreg s4  }
0xa9: {  	[dreg:$0x4] =	wrdreg $0xC0  }
0xaa: {  	_ =	task [dreg:s7], $0x5FFFF  }
0xab: {  	[dreg:$0x1] =	wrdreg $0xFFFFFFFF  }
0xac: {  	[dreg:$0x0] =	wrdreg $0x60  }
0xad: {  	[dreg:$0x2] =	wrdreg s0  }
0xae: {  	[dreg:$0x3] =	wrdreg s17  }
0xaf: {  	[dreg:$0x4] =	wrdreg s2  }
0xb0: {  	[dreg:$0x5] =	wrdreg $0x9  }
0xb1: {  	_ =	task.clear_ibuf [dreg:s7], $0x6FFFF;
	_ =	strace $0x90000046  }
0xb2: {  	s26 =	simm.s32 $0x9;
	_ =	strace $0x80000048  }
0xb3: {  	_ =	swait.ge [sflag:s26], $0x1  }
0xb4: {  	[sflag:s26] =	ssyncadd.s32 $0xFFFFFFFF  }
0xb5: {  	_ =	strace $0x90000048  }
0xb6: {  	_ =	sfence  }
0xb7: {  	s28 =	sld [smem:$0x0];
	_ =	sdelay $0x1  }
0xb8: {  	s29 =	srdreg.scid  }
0xb9: {  	s30 =	sshll.u32 s29, $0xD;
	s31 =	sshrl.u32 s29, $0x2  }
0xba: {  	s1 =	sand.u32 $0x1, s29;
	s2 =	sand.u32 $0x4000, s30;
	s0 =	sadd.s32 s31, s28  }
0xbb: {  	s1 =	sor.u32 s2, s1;
	s0 =	sshll.u32 s0, $0x11  }
0xbc: {  	s0 =	sor.u32 s0, s1  }
0xbd: {  	s0 =	sadd.s32 $0x8F2B, s0  }
0xbe: {  	[sflag:s0] =	ssyncadd.remote.s32 $0x1  }
0xbf: {  	_ =	sfence.sel $0xFFFF  }
0xc0: {  	[dreg:$0x0] =	wrdreg $0xFFFFFFFF;
	(pc) =	sbr.abs _section_cstart, $3  }
0xc1: {  	[dreg:$0x1] =	wrdreg $0xFFFFFFFF  }
0xc2: {  	_ =	task.clear_ibuf [dreg:s7], $0x2FFFF;
	_ =	strace $0x9FFFFFFF  }
0xc3: {  	(tm) =	ssettm $0x7FFFFFFF  }
tec
execute0_lowered:
.L_overlay_start_1:
0x0: {  	(tag) =	ssettag $0x1  }
0x1: {  	s4 =	rddreg [dreg:$0x0]  }
0x2: {  	s6 =	rddreg [dreg:$0x1];
	s1 =	stileid.u32  }
0x3: {  	s2 =	rddreg [dreg:$0x2];
	s5 =	sshll.u32 s1, $0x2;
	s7 =	sshll.u32 s1, $0x8  }
0x4: {  	s0 =	rddreg [dreg:$0x3];
	s3 =	simm.s32 $0x0;
	s5 =	sor.u32 s5, s7  }
0x5: {  	[smem:$0x7FF] =	sst s3;
	s9 =	sand.u32 $0x330, s5  }
0x6: {  	_ =	strace $0x80000047;
	s5 =	sadd.s32 s6, s9;
	s8 =	sor.u32 $0x40, s9  }
0x7: {  	[tilespmem:s3], [sflag:$0x2] =	stream.linear.gather [hbm4b:s5+s3], $0x80, $0x38;
	[tilespmem:$0x600] =	vst v63  }
0x8: {  	s10 =	simm.s32 $0x80;
	s7 =	sor.u32 $0x80, s9;
	s29 =	sadd.s32 s6, s8  }
0x9: {  	[tilespmem:s10], [sflag:$0x2] =	stream.linear.gather [hbm4b:s29+s3], $0x80, $0x38;
	[tilespmem:$0x600] =	vst v63  }
0xa: {  	s13 =	simm.s32 $0x100;
	s12 =	sadd.s32 s6, s7;
	s5 =	sor.u32 $0xC0, s9  }
0xb: {  	[tilespmem:s13], [sflag:$0x2] =	stream.linear.gather [hbm4b:s12+s3], $0x80, $0x38;
	[tilespmem:$0x600] =	vst v63  }
0xc: {  	s31 =	simm.s32 $0x180;
	s11 =	sshll.u32 s1, $0x9;
	s6 =	sadd.s32 s6, s5  }
0xd: {  	v0 =	vlaneseq.u32;
	[tilespmem:s31], [sflag:$0x2] =	stream.linear.gather [hbm4b:s6+s3], $0x80, $0x38;
	[tilespmem:$0x600] =	vst v63  }
0xe: {  	v1 =	vmul.u32 $0x4, v0;
	v0 =	vand.u32 $0x7, v0;
	s30 =	sor.u32 $0x10, s11;
	s14 =	sor.u32 $0x20, s11;
	s6 =	simm.s32 $0x2  }
0xf: {  	v2 =	vmov s11;
	s15 =	sor.u32 $0x30, s11;
	s16 =	sor.u32 $0x40, s11;
	v0 =	vmul.u32 $0x80, v0;
	v3 =	vmov s30;
	_ =	swait.ge [sflag:s6], $0x80  }
0x10: {  	s17 =	sor.u32 $0x50, s11;
	s18 =	sor.u32 $0x60, s11;
	v2 =	vshll.u32 v2, $0x2;
	v4 =	vmov s14;
	v5 =	vmov s15;
	[sflag:s6] =	ssyncset.done $0x0  }
0x11: {  	s19 =	sor.u32 $0x70, s11;
	v6 =	vmov s16;
	v8 =	vmov s17;
	v10 =	vmov s18;
	[sflag:s6] =	ssyncadd.s32 $0xFFFFFF80  }
0x12: {  	v11 =	vmov s19;
	v3 =	vshll.u32 v3, $0x2;
	v2 =	vor.u32 v1, v2;
	v7 =	vld [tilespmem:$0x0]  }
0x13: {  	v4 =	vshll.u32 v4, $0x2;
	v5 =	vshll.u32 v5, $0x2;
	v6 =	vshll.u32 v6, $0x2;
	v9 =	vld [tilespmem:$0x10]  }
0x14: {  	v8 =	vshll.u32 v8, $0x2;
	v10 =	vshll.u32 v10, $0x2;
	v11 =	vshll.u32 v11, $0x2;
	v13 =	vld [tilespmem:$0x20]  }
0x15: {  	v3 =	vor.u32 v1, v3;
	v4 =	vor.u32 v1, v4;
	v5 =	vor.u32 v1, v5;
	v23 =	vld [tilespmem:$0x30]  }
0x16: {  	v6 =	vor.u32 v1, v6;
	v8 =	vor.u32 v1, v8;
	v3 =	vand.u32 $0x3FF860, v3;
	v25 =	vld [tilespmem:$0x40]  }
0x17: {  	v10 =	vor.u32 v1, v10;
	v4 =	vand.u32 $0x3FF8A0, v4;
	v5 =	vand.u32 $0x3FF8E0, v5;
	v27 =	vld [tilespmem:$0x50]  }
0x18: {  	v11 =	vor.u32 v1, v11;
	v6 =	vand.u32 $0x3FF920, v6;
	v8 =	vand.u32 $0x3FF960, v8;
	v30 =	vld [tilespmem:$0x60]  }
0x19: {  	v2 =	vand.u32 $0x7820, v2;
	v10 =	vand.u32 $0x3FF9A0, v10;
	v11 =	vand.u32 $0x3FF9E0, v11;
	v32 =	vld [tilespmem:$0x70]  }
0x1a: {  	v12 =	vshrl.u32 v7, $0x7;
	v14 =	vshrl.u32 v9, $0x7;
	v7 =	vand.u32 $0x7F, v7  }
0x1b: {  	v24 =	vand.u32 $0x7F, v9;
	v26 =	vshrl.u32 v13, $0x7;
	v28 =	vshrl.u32 v23, $0x7  }
0x1c: {  	v13 =	vand.u32 $0x7F, v13;
	v29 =	vand.u32 $0x7F, v23;
	v31 =	vshrl.u32 v25, $0x7  }
0x1d: {  	v33 =	vshrl.u32 v27, $0x7;
	v9 =	vand.u32 $0x7F, v25;
	v36 =	vand.u32 $0x7F, v27  }
0x1e: {  	v38 =	vshrl.u32 v30, $0x7;
	v40 =	vshrl.u32 v32, $0x7;
	v41 =	vand.u32 $0x7F, v30  }
0x1f: {  	v44 =	vand.u32 $0x7F, v32;
	v2 =	vadd.s32 v2, v12;
	v3 =	vadd.s32 v3, v14  }
0x20: {  	v4 =	vadd.s32 v4, v26;
	v5 =	vadd.s32 v5, v28;
	v6 =	vadd.s32 v6, v31  }
0x21: {  	v39 =	vadd.s32 v10, v38;
	v2 =	vshll.u32 v2, $0xA;
	v3 =	vshll.u32 v3, $0xA  }
0x22: {  	v4 =	vshll.u32 v4, $0xA;
	v5 =	vshll.u32 v5, $0xA;
	v2 =	vor.u32 v7, v2  }
0x23: {  	v6 =	vshll.u32 v6, $0xA;
	v3 =	vor.u32 v24, v3;
	v2 =	vor.u32 v0, v2  }
0x24: {  	v4 =	vor.u32 v13, v4;
	v5 =	vor.u32 v29, v5;
	v3 =	vor.u32 v0, v3;
	[tilespmem:$0x200] =	vst v2  }
0x25: {  	v7 =	vadd.s32 v8, v33;
	v34 =	vor.u32 v9, v6;
	v4 =	vor.u32 v0, v4;
	[tilespmem:$0x210] =	vst v3  }
0x26: {  	v6 =	vadd.s32 v11, v40;
	v5 =	vor.u32 v0, v5;
	v35 =	vshll.u32 v7, $0xA;
	[tilespmem:$0x220] =	vst v4  }
0x27: {  	v43 =	vshll.u32 v6, $0xA;
	v2 =	vor.u32 v0, v34;
	v37 =	vor.u32 v36, v35;
	[tilespmem:$0x230] =	vst v5  }
0x28: {  	v4 =	vshll.u32 v39, $0xA;
	v45 =	vor.u32 v44, v43;
	v3 =	vor.u32 v0, v37;
	[tilespmem:$0x240] =	vst v2  }
0x29: {  	v42 =	vor.u32 v41, v4;
	v47 =	vor.u32 v0, v45;
	[tilespmem:$0x250] =	vst v3  }
0x2a: {  	s20 =	sor.u32 $0x80, s11;
	s21 =	sor.u32 $0x90, s11;
	s22 =	sor.u32 $0xA0, s11;
	v2 =	vor.u32 v0, v42;
	[tilespmem:$0x270] =	vst v47  }
0x2b: {  	s23 =	sor.u32 $0xB0, s11;
	s14 =	simm.s32 $0x200;
	s12 =	simm.s32 $0x400;
	[tilespmem:$0x260] =	vst v2  }
0x2c: {  	[tilespmem:s12], [sflag:$0x1] =	stream.indirect.gather [hbm4b:s4+s10], $0x1, s14, s10, $0xb8;
	[tilespmem:$0x600] =	vst v63  }
0x2d: {  	s24 =	sor.u32 $0xC0, s11;
	s25 =	sor.u32 $0xD0, s11;
	v46 =	vmov s20;
	v49 =	vmov s21;
	v52 =	vmov s22;
	_ =	swait.ge [sflag:s6], $0x80  }
0x2e: {  	s26 =	sor.u32 $0xE0, s11;
	s28 =	sor.u32 $0xF0, s11;
	v53 =	vmov s23;
	v54 =	vmov s24;
	v56 =	vmov s25;
	[sflag:s6] =	ssyncset.done $0x0  }
0x2f: {  	v58 =	vmov s26;
	v59 =	vmov s28;
	v48 =	vshll.u32 v46, $0x2;
	[sflag:s6] =	ssyncadd.s32 $0xFFFFFF80  }
0x30: {  	v51 =	vshll.u32 v49, $0x2;
	v50 =	vor.u32 v1, v48;
	v10 =	vshll.u32 v58, $0x2;
	v55 =	vld [tilespmem:$0x80]  }
0x31: {  	v10 =	vor.u32 v1, v10;
	v8 =	vshll.u32 v56, $0x2;
	v11 =	vshll.u32 v59, $0x2;
	v57 =	vld [tilespmem:$0x90]  }
0x32: {  	v10 =	vand.u32 $0x3FFBA0, v10;
	v6 =	vshll.u32 v54, $0x2;
	v8 =	vor.u32 v1, v8;
	v60 =	vld [tilespmem:$0xA0]  }
0x33: {  	v11 =	vor.u32 v1, v11;
	v5 =	vshll.u32 v53, $0x2;
	v6 =	vor.u32 v1, v6;
	v62 =	vld [tilespmem:$0xB0]  }
0x34: {  	v8 =	vand.u32 $0x3FFB60, v8;
	v11 =	vand.u32 $0x3FFBE0, v11;
	v4 =	vshll.u32 v52, $0x2;
	v16 =	vld [tilespmem:$0xC0]  }
0x35: {  	v5 =	vor.u32 v1, v5;
	v6 =	vand.u32 $0x3FFB20, v6;
	v3 =	vor.u32 v1, v51;
	v18 =	vld [tilespmem:$0xD0]  }
0x36: {  	v4 =	vor.u32 v1, v4;
	v5 =	vand.u32 $0x3FFAE0, v5;
	v2 =	vand.u32 $0x3FFA20, v50;
	v21 =	vld [tilespmem:$0xE0]  }
0x37: {  	v3 =	vand.u32 $0x3FFA60, v3;
	v4 =	vand.u32 $0x3FFAA0, v4;
	v23 =	vld [tilespmem:$0xF0]  }
0x38: {  	v61 =	vshrl.u32 v55, $0x7;
	v63 =	vshrl.u32 v57, $0x7;
	v7 =	vand.u32 $0x7F, v55  }
0x39: {  	v15 =	vand.u32 $0x7F, v57;
	v17 =	vshrl.u32 v60, $0x7;
	v19 =	vshrl.u32 v62, $0x7  }
0x3a: {  	v12 =	vand.u32 $0x7F, v60;
	v20 =	vand.u32 $0x7F, v62;
	v22 =	vshrl.u32 v16, $0x7  }
0x3b: {  	v24 =	vshrl.u32 v18, $0x7;
	v9 =	vand.u32 $0x7F, v16;
	v27 =	vand.u32 $0x7F, v18  }
0x3c: {  	v29 =	vshrl.u32 v21, $0x7;
	v31 =	vshrl.u32 v23, $0x7;
	v32 =	vand.u32 $0x7F, v21  }
0x3d: {  	v35 =	vand.u32 $0x7F, v23;
	v2 =	vadd.s32 v2, v61;
	v3 =	vadd.s32 v3, v63  }
0x3e: {  	v4 =	vadd.s32 v4, v17;
	v5 =	vadd.s32 v5, v19;
	v6 =	vadd.s32 v6, v22  }
0x3f: {  	v30 =	vadd.s32 v10, v29;
	v2 =	vshll.u32 v2, $0xA;
	v3 =	vshll.u32 v3, $0xA  }
0x40: {  	v4 =	vshll.u32 v4, $0xA;
	v5 =	vshll.u32 v5, $0xA;
	v2 =	vor.u32 v7, v2  }
0x41: {  	v6 =	vshll.u32 v6, $0xA;
	v3 =	vor.u32 v15, v3;
	v2 =	vor.u32 v0, v2  }
0x42: {  	v4 =	vor.u32 v12, v4;
	v5 =	vor.u32 v20, v5;
	v3 =	vor.u32 v0, v3;
	[tilespmem:$0x280] =	vst v2  }
0x43: {  	v7 =	vadd.s32 v8, v24;
	v25 =	vor.u32 v9, v6;
	v4 =	vor.u32 v0, v4;
	[tilespmem:$0x290] =	vst v3  }
0x44: {  	v6 =	vadd.s32 v11, v31;
	v5 =	vor.u32 v0, v5;
	v26 =	vshll.u32 v7, $0xA;
	[tilespmem:$0x2A0] =	vst v4  }
0x45: {  	v34 =	vshll.u32 v6, $0xA;
	v2 =	vor.u32 v0, v25;
	v28 =	vor.u32 v27, v26;
	[tilespmem:$0x2B0] =	vst v5  }
0x46: {  	v4 =	vshll.u32 v30, $0xA;
	v36 =	vor.u32 v35, v34;
	v3 =	vor.u32 v0, v28;
	[tilespmem:$0x2C0] =	vst v2  }
0x47: {  	v33 =	vor.u32 v32, v4;
	v38 =	vor.u32 v0, v36;
	[tilespmem:$0x2D0] =	vst v3  }
0x48: {  	s30 =	sor.u32 $0x110, s11;
	s15 =	simm.s32 $0x280;
	v2 =	vor.u32 v0, v33;
	[tilespmem:$0x2F0] =	vst v38  }
0x49: {  	s18 =	sor.u32 $0x160, s11;
	s29 =	sor.u32 $0x100, s11;
	s13 =	simm.s32 $0x480;
	[tilespmem:$0x2E0] =	vst v2  }
0x4a: {  	[tilespmem:s13], [sflag:$0x1] =	stream.indirect.gather [hbm4b:s4+s10], $0x1, s15, s10, $0xb8;
	[tilespmem:$0x600] =	vst v63  }
0x4b: {  	s16 =	sor.u32 $0x140, s11;
	v49 =	vmov s18;
	s31 =	sor.u32 $0x120, s11;
	v40 =	vmov s30;
	v37 =	vmov s29;
	_ =	swait.ge [sflag:s6], $0x80  }
0x4c: {  	s17 =	sor.u32 $0x150, s11;
	v43 =	vmov s31;
	v45 =	vmov s16;
	v39 =	vshll.u32 v37, $0x2;
	[sflag:s6] =	ssyncset.done $0x0  }
0x4d: {  	s19 =	sor.u32 $0x170, s11;
	v42 =	vshll.u32 v40, $0x2;
	v47 =	vmov s17;
	v10 =	vshll.u32 v49, $0x2;
	[sflag:s6] =	ssyncadd.s32 $0xFFFFFF80  }
0x4e: {  	v50 =	vmov s19;
	v10 =	vor.u32 v1, v10;
	v8 =	vshll.u32 v47, $0x2;
	v46 =	vld [tilespmem:$0x100]  }
0x4f: {  	v11 =	vshll.u32 v50, $0x2;
	v10 =	vand.u32 $0x3FFDA0, v10;
	v8 =	vor.u32 v1, v8;
	v48 =	vld [tilespmem:$0x110]  }
0x50: {  	v6 =	vshll.u32 v45, $0x2;
	v11 =	vor.u32 v1, v11;
	v8 =	vand.u32 $0x3FFD60, v8;
	v51 =	vld [tilespmem:$0x120]  }
0x51: {  	v41 =	vor.u32 v1, v39;
	v6 =	vor.u32 v1, v6;
	v11 =	vand.u32 $0x3FFDE0, v11;
	s15 =	sor.u32 $0x130, s11;
	v53 =	vld [tilespmem:$0x130]  }
0x52: {  	v4 =	vshll.u32 v43, $0x2;
	v6 =	vand.u32 $0x3FFD20, v6;
	v44 =	vmov s15;
	v56 =	vld [tilespmem:$0x140]  }
0x53: {  	v3 =	vor.u32 v1, v42;
	v4 =	vor.u32 v1, v4;
	v5 =	vshll.u32 v44, $0x2;
	v58 =	vld [tilespmem:$0x150]  }
0x54: {  	v2 =	vand.u32 $0x3FFC20, v41;
	v3 =	vand.u32 $0x3FFC60, v3;
	v5 =	vor.u32 v1, v5;
	v61 =	vld [tilespmem:$0x160]  }
0x55: {  	v4 =	vand.u32 $0x3FFCA0, v4;
	v5 =	vand.u32 $0x3FFCE0, v5;
	v63 =	vld [tilespmem:$0x170]  }
0x56: {  	v52 =	vshrl.u32 v46, $0x7;
	v54 =	vshrl.u32 v48, $0x7;
	v7 =	vand.u32 $0x7F, v46  }
0x57: {  	v55 =	vand.u32 $0x7F, v48;
	v57 =	vshrl.u32 v51, $0x7;
	v59 =	vshrl.u32 v53, $0x7  }
0x58: {  	v12 =	vand.u32 $0x7F, v51;
	v60 =	vand.u32 $0x7F, v53;
	v62 =	vshrl.u32 v56, $0x7  }
0x59: {  	v15 =	vshrl.u32 v58, $0x7;
	v9 =	vand.u32 $0x7F, v56;
	v18 =	vand.u32 $0x7F, v58  }
0x5a: {  	v20 =	vshrl.u32 v61, $0x7;
	v22 =	vshrl.u32 v63, $0x7;
	v23 =	vand.u32 $0x7F, v61  }
0x5b: {  	v26 =	vand.u32 $0x7F, v63;
	v2 =	vadd.s32 v2, v52;
	v3 =	vadd.s32 v3, v54  }
0x5c: {  	v4 =	vadd.s32 v4, v57;
	v5 =	vadd.s32 v5, v59;
	v6 =	vadd.s32 v6, v62  }
0x5d: {  	v21 =	vadd.s32 v10, v20;
	v2 =	vshll.u32 v2, $0xA;
	v3 =	vshll.u32 v3, $0xA  }
0x5e: {  	v4 =	vshll.u32 v4, $0xA;
	v5 =	vshll.u32 v5, $0xA;
	v2 =	vor.u32 v7, v2  }
0x5f: {  	v6 =	vshll.u32 v6, $0xA;
	v3 =	vor.u32 v55, v3;
	v2 =	vor.u32 v0, v2  }
0x60: {  	v4 =	vor.u32 v12, v4;
	v5 =	vor.u32 v60, v5;
	v3 =	vor.u32 v0, v3;
	[tilespmem:$0x300] =	vst v2  }
0x61: {  	v7 =	vadd.s32 v8, v15;
	v16 =	vor.u32 v9, v6;
	v4 =	vor.u32 v0, v4;
	[tilespmem:$0x310] =	vst v3  }
0x62: {  	v6 =	vadd.s32 v11, v22;
	v5 =	vor.u32 v0, v5;
	v17 =	vshll.u32 v7, $0xA;
	[tilespmem:$0x320] =	vst v4  }
0x63: {  	v25 =	vshll.u32 v6, $0xA;
	v2 =	vor.u32 v0, v16;
	v19 =	vor.u32 v18, v17;
	[tilespmem:$0x330] =	vst v5  }
0x64: {  	v4 =	vshll.u32 v21, $0xA;
	v27 =	vor.u32 v26, v25;
	v3 =	vor.u32 v0, v19;
	[tilespmem:$0x340] =	vst v2  }
0x65: {  	v24 =	vor.u32 v23, v4;
	v28 =	vor.u32 v0, v27;
	[tilespmem:$0x350] =	vst v3  }
0x66: {  	s20 =	sor.u32 $0x180, s11;
	s21 =	sor.u32 $0x190, s11;
	s22 =	simm.s32 $0x500;
	v2 =	vor.u32 v0, v24;
	[tilespmem:$0x370] =	vst v28  }
0x67: {  	s23 =	sor.u32 $0x1A0, s11;
	s28 =	sor.u32 $0x1E0, s11;
	s16 =	simm.s32 $0x300;
	[tilespmem:$0x360] =	vst v2  }
0x68: {  	[tilespmem:s22], [sflag:$0x1] =	stream.indirect.gather [hbm4b:s4+s10], $0x1, s16, s10, $0xb8;
	[tilespmem:$0x600] =	vst v63  }
0x69: {  	s24 =	sor.u32 $0x1B0, s11;
	s26 =	sor.u32 $0x1D0, s11;
	v37 =	vmov s28;
	v29 =	vmov s20;
	v31 =	vmov s23;
	_ =	swait.ge [sflag:s6], $0x80  }
0x6a: {  	s25 =	sor.u32 $0x1C0, s11;
	v30 =	vmov s21;
	v35 =	vmov s26;
	v32 =	vmov s24;
	s11 =	sor.u32 $0x1F0, s11;
	[sflag:s6] =	ssyncset.done $0x0  }
0x6b: {  	v33 =	vmov s25;
	v38 =	vmov s11;
	v10 =	vshll.u32 v37, $0x2;
	[sflag:s6] =	ssyncadd.s32 $0xFFFFFF80  }
0x6c: {  	v10 =	vor.u32 v1, v10;
	v8 =	vshll.u32 v35, $0x2;
	v11 =	vshll.u32 v38, $0x2;
	v34 =	vld [tilespmem:$0x180]  }
0x6d: {  	v10 =	vand.u32 $0x3FFFA0, v10;
	v6 =	vshll.u32 v33, $0x2;
	v8 =	vor.u32 v1, v8;
	v36 =	vld [tilespmem:$0x190]  }
0x6e: {  	v5 =	vshll.u32 v32, $0x2;
	v6 =	vor.u32 v1, v6;
	v8 =	vand.u32 $0x3FFF60, v8;
	v39 =	vld [tilespmem:$0x1A0]  }
0x6f: {  	v4 =	vshll.u32 v31, $0x2;
	v5 =	vor.u32 v1, v5;
	v6 =	vand.u32 $0x3FFF20, v6;
	v41 =	vld [tilespmem:$0x1B0]  }
0x70: {  	v3 =	vshll.u32 v29, $0x2;
	v4 =	vor.u32 v1, v4;
	v5 =	vand.u32 $0x3FFEE0, v5;
	v44 =	vld [tilespmem:$0x1C0]  }
0x71: {  	v3 =	vor.u32 v1, v3;
	v2 =	vshll.u32 v30, $0x2;
	v4 =	vand.u32 $0x3FFEA0, v4;
	v46 =	vld [tilespmem:$0x1D0]  }
0x72: {  	v3 =	vand.u32 $0x3FFE20, v3;
	v2 =	vor.u32 v1, v2;
	v1 =	vor.u32 v1, v11;
	v49 =	vld [tilespmem:$0x1E0]  }
0x73: {  	v2 =	vand.u32 $0x3FFE60, v2;
	v1 =	vand.u32 $0x3FFFE0, v1;
	v51 =	vld [tilespmem:$0x1F0]  }
0x74: {  	v40 =	vshrl.u32 v34, $0x7;
	v42 =	vshrl.u32 v36, $0x7;
	v7 =	vand.u32 $0x7F, v34  }
0x75: {  	v43 =	vand.u32 $0x7F, v36;
	v45 =	vshrl.u32 v39, $0x7;
	v47 =	vshrl.u32 v41, $0x7  }
0x76: {  	v12 =	vand.u32 $0x7F, v39;
	v48 =	vand.u32 $0x7F, v41;
	v50 =	vshrl.u32 v44, $0x7  }
0x77: {  	v52 =	vshrl.u32 v46, $0x7;
	v9 =	vand.u32 $0x7F, v44;
	v55 =	vand.u32 $0x7F, v46  }
0x78: {  	v58 =	vshrl.u32 v49, $0x7;
	v60 =	vshrl.u32 v51, $0x7;
	v61 =	vand.u32 $0x7F, v49  }
0x79: {  	v63 =	vand.u32 $0x7F, v51;
	v3 =	vadd.s32 v3, v40;
	v2 =	vadd.s32 v2, v42  }
0x7a: {  	v4 =	vadd.s32 v4, v45;
	v5 =	vadd.s32 v5, v47;
	v6 =	vadd.s32 v6, v50  }
0x7b: {  	v59 =	vadd.s32 v10, v58;
	v1 =	vadd.s32 v1, v60;
	v3 =	vshll.u32 v3, $0xA  }
0x7c: {  	v2 =	vshll.u32 v2, $0xA;
	v4 =	vshll.u32 v4, $0xA;
	v3 =	vor.u32 v7, v3  }
0x7d: {  	v5 =	vshll.u32 v5, $0xA;
	v2 =	vor.u32 v43, v2;
	v3 =	vor.u32 v0, v3  }
0x7e: {  	v6 =	vshll.u32 v6, $0xA;
	v4 =	vor.u32 v12, v4;
	v2 =	vor.u32 v0, v2;
	[tilespmem:$0x380] =	vst v3  }
0x7f: {  	v5 =	vor.u32 v48, v5;
	v7 =	vadd.s32 v8, v52;
	v4 =	vor.u32 v0, v4;
	[tilespmem:$0x390] =	vst v2  }
0x80: {  	v53 =	vor.u32 v9, v6;
	v5 =	vor.u32 v0, v5;
	v54 =	vshll.u32 v7, $0xA;
	[tilespmem:$0x3A0] =	vst v4  }
0x81: {  	v56 =	vor.u32 v0, v53;
	v57 =	vor.u32 v55, v54;
	[tilespmem:$0x3B0] =	vst v5;
	v4 =	vshll.u32 v59, $0xA  }
0x82: {  	v1 =	vshll.u32 v1, $0xA;
	[tilespmem:$0x3C0] =	vst v56;
	v3 =	vor.u32 v0, v57;
	v62 =	vor.u32 v61, v4  }
0x83: {  	v1 =	vor.u32 v63, v1;
	[tilespmem:$0x3D0] =	vst v3;
	v2 =	vor.u32 v0, v62  }
0x84: {  	v0 =	vor.u32 v0, v1;
	[tilespmem:$0x3E0] =	vst v2  }
0x85: {  	s30 =	simm.s32 $0x580;
	s31 =	simm.s32 $0x1;
	s29 =	simm.s32 $0x380;
	[tilespmem:$0x3F0] =	vst v0  }
0x86: {  	[tilespmem:s30], [sflag:$0x1] =	stream.indirect.gather [hbm4b:s4+s10], $0x1, s29, s10, $0xb8;
	[tilespmem:$0x600] =	vst v63  }
0x87: {  	_ =	swait.ge [sflag:s31], $0x80  }
0x88: {  	[sflag:s31] =	ssyncset.done $0x0  }
0x89: {  	s9 =	sadd.s32 s2, s9;
	[sflag:s31] =	ssyncadd.s32 $0xFFFFFF80  }
0x8a: {  	[hbm4b:s9+s3] =	stream.linear.scatter [tilespmem:s12], [sflag:$0x2], $0x80, $0x38;
	[tilespmem:$0x600] =	vst v63  }
0x8b: {  	_ =	swait.ge [sflag:s31], $0x80  }
0x8c: {  	[sflag:s31] =	ssyncset.done $0x0  }
0x8d: {  	s8 =	sadd.s32 s2, s8;
	[sflag:s31] =	ssyncadd.s32 $0xFFFFFF80  }
0x8e: {  	[hbm4b:s8+s3] =	stream.linear.scatter [tilespmem:s13], [sflag:$0x2], $0x80, $0x38;
	[tilespmem:$0x600] =	vst v63  }
0x8f: {  	_ =	swait.ge [sflag:s31], $0x80  }
0x90: {  	[sflag:s31] =	ssyncset.done $0x0  }
0x91: {  	s7 =	sadd.s32 s2, s7;
	[sflag:s31] =	ssyncadd.s32 $0xFFFFFF80  }
0x92: {  	[hbm4b:s7+s3] =	stream.linear.scatter [tilespmem:s22], [sflag:$0x2], $0x80, $0x38;
	[tilespmem:$0x600] =	vst v63  }
0x93: {  	_ =	swait.ge [sflag:s31], $0x80  }
0x94: {  	[sflag:s31] =	ssyncset.done $0x0  }
0x95: {  	s2 =	sadd.s32 s2, s5;
	[sflag:s31] =	ssyncadd.s32 $0xFFFFFF80  }
0x96: {  	[hbm4b:s2+s3] =	stream.linear.scatter [tilespmem:s30], [sflag:$0x2], $0x80, $0x38;
	[tilespmem:$0x600] =	vst v63  }
0x97: {  	_ =	swait.ge [sflag:s6], $0x80  }
0x98: {  	[sflag:s6] =	ssyncset.done $0x0  }
0x99: {  	[sflag:s6] =	ssyncadd.s32 $0xFFFFFF80  }
0x9a: {  	_ =	swait.ge [sflag:s6], $0x80  }
0x9b: {  	[sflag:s6] =	ssyncset.done $0x0  }
0x9c: {  	[sflag:s6] =	ssyncadd.s32 $0xFFFFFF80  }
0x9d: {  	_ =	swait.ge [sflag:s6], $0x80  }
0x9e: {  	[sflag:s6] =	ssyncset.done $0x0  }
0x9f: {  	[sflag:s6] =	ssyncadd.s32 $0xFFFFFF80  }
0xa0: {  	_ =	swait.ge [sflag:s6], $0x80  }
0xa1: {  	[sflag:s6] =	ssyncset.done $0x0  }
0xa2: {  	[sflag:s6] =	ssyncadd.s32 $0xFFFFFF80  }
0xa3: {  	_ =	sfence.sel $0x180000  }
0xa4: {  	[bflag:$0x0] =	sbarrier.arrive $0xFFFF  }
0xa5: {  	p0 =	sne.s32 s1, $0x0;
	_ =	strace $0x90000047  }
0xa6: {  	s0 =	sadd.s32 @!p0 $0x100000, s0;
	[bflag:$0x2] =	sbarrier.arrive $0xFFFF  }
0xa7: {  	[sflag:s0] =	ssyncadd.tile.s32 @!p0 $0x1;
	_ =	shalt  }
.Lfunc_end2:
_tile_overlayer_lowered:
.L_overlay_start_2:
0xa8: {  	(tag) =	ssettag $0x2  }
0xa9: {  	s0 =	rddreg [dreg:$0x0];
	s2 =	stileid.u32  }
0xaa: {  	s1 =	rddreg [dreg:$0x1];
	p0 =	sne.s32 s2, $0x0  }
0xab: {  	s3 =	rddreg [dreg:$0x2];
	[bflag:$0x3] =	sbarrier.arrive $0xFFFF;
	s2 =	simm.s32 @!p0 $0x1C03  }
0xac: {  	[timem:s3], [sflag:s2] =	dma.local @!p0 [hbm:s0], s1  }
0xad: {  	s0 =	simm.s32 @!p0 $0x3  }
0xae: {  	_ =	swait.ge @!p0 [sflag:s0], s1  }
0xaf: {  	s1 =	ssub.s32 @!p0 $0x0, s1;
	[sflag:s0] =	ssyncset.done @!p0 $0x0  }
0xb0: {  	[sflag:s0] =	ssyncadd.s32 @!p0 s1  }
0xb1: {  	[bflag:$0x3] =	sbarrier.arrive $0xFFFF  }
0xb2: {  	_ =	shalt  }

</sc_bundles>
